<compile_context>
chip_gen: v7x
topology: tpu7x:2x2x1
jax: 0.10.2.dev20260603
libtpu: 0.0.44.dev20260713+nightly
codegen_flags: <defaults>
</compile_context>

<pallas_src>
import functools

import jax
import jax.numpy as jnp
from jax import lax
from jax.experimental import pallas as pl
from jax.experimental.pallas import tpu as pltpu
from jax.experimental.pallas import tpu_sc as plsc

B = 16384
_info = plsc.get_sparse_core_info()
NC, NS, L = _info.num_cores, _info.num_subcores, _info.num_lanes
NW = NC * NS
BPW = B // NW
IDX_CHUNK = 128

_mesh = plsc.VectorSubcoreMesh(core_axis_name="c", subcore_axis_name="s")


@functools.partial(
    pl.kernel,
    mesh=_mesh,
    out_type=jax.ShapeDtypeStruct((B,), jnp.float32),
    scratch_types=[
        pltpu.VMEM((BPW,), jnp.int32),
        pltpu.VMEM((BPW,), jnp.int32),
        pltpu.VMEM((BPW,), jnp.float32),
        pltpu.VMEM((BPW,), jnp.float32),
        pltpu.VMEM((BPW,), jnp.float32),
        pltpu.VMEM((BPW,), jnp.float32),
        pltpu.SemaphoreType.DMA,
        pltpu.SemaphoreType.DMA,
        pltpu.SemaphoreType.DMA,
        pltpu.SemaphoreType.DMA,
        pltpu.SemaphoreType.DMA,
        pltpu.SemaphoreType.DMA,
        pltpu.SemaphoreType.DMA,
    ],
)
def _sc_pred(uid_hbm, iid_hbm, uw_hbm, aw_hbm, bw_hbm, out_hbm,
             uid_v, iid_v, u_v, a_v, b_v, p_v, sem_u, sem_i, sem_o, *gsems):
    wid = lax.axis_index("s") * NC + lax.axis_index("c")
    base = wid * BPW
    uw1 = uw_hbm.at[0]
    aw1 = aw_hbm.at[0]
    bw1 = bw_hbm.at[0]
    cu = pltpu.async_copy(uid_hbm.at[pl.ds(base, BPW)], uid_v, sem_u)
    ci = pltpu.async_copy(iid_hbm.at[pl.ds(base, BPW)], iid_v, sem_i)
    nchunks = BPW // IDX_CHUNK
    copies = []
    cu.wait()
    for j in range(nchunks):
        sl = pl.ds(j * IDX_CHUNK, IDX_CHUNK)
        copies.append(pltpu.async_copy(uw1.at[uid_v.at[sl]], u_v.at[sl], gsems[j]))
    ci.wait()
    for j in range(nchunks):
        sl = pl.ds(j * IDX_CHUNK, IDX_CHUNK)
        copies.append(pltpu.async_copy(aw1.at[iid_v.at[sl]], a_v.at[sl], gsems[j]))
        copies.append(pltpu.async_copy(bw1.at[iid_v.at[sl]], b_v.at[sl], gsems[j]))
    outs = []
    for j in range(nchunks):
        copies[j].wait()
        copies[nchunks + 2 * j].wait()
        copies[nchunks + 2 * j + 1].wait()
        def _body(k, carry, _j=j):
            s16 = pl.ds(_j * IDX_CHUNK + k * L, L)
            z = a_v[s16] * (u_v[s16] - b_v[s16])
            p_v[s16] = 1.0 / (1.0 + jnp.exp(-z))
            return carry
        lax.fori_loop(0, IDX_CHUNK // L, _body, 0)
        sl = pl.ds(j * IDX_CHUNK, IDX_CHUNK)
        outs.append(pltpu.async_copy(
            p_v.at[sl], out_hbm.at[pl.ds(base + j * IDX_CHUNK, IDX_CHUNK)], sem_o))
    for c in outs:
        c.wait()


def _loss_body(p_ref, s_ref, o_ref):
    p = p_ref[...]
    s = s_ref[...]
    log_p = jnp.maximum(jnp.log(p), -100.0)
    log_1mp = jnp.maximum(jnp.log(1.0 - p), -100.0)
    o_ref[...] = -jnp.sum(s * log_p + (1.0 - s) * log_1mp) * (1.0 / B)


_tc_loss = pl.pallas_call(
    _loss_body,
    out_shape=jax.ShapeDtypeStruct((), jnp.float32),
    out_specs=pl.BlockSpec(memory_space=pltpu.SMEM),
)


def kernel(user_id, item_id, score, user_w, a_w, b_w):
    pred = _sc_pred(user_id.astype(jnp.int32), item_id,
                    user_w.T, a_w.T, b_w.T)
    loss = _tc_loss(pred.reshape(128, 128), score.reshape(128, 128))
    return pred, loss

# --- scband reference (transcript-rebuilt; emitter-appended) ---
"""Pipeline reference for scband-irt-48619029791132 (READ-ONLY COPY).

The authoritative reference and input builder live on the scoring server;
editing this copy changes nothing except your own understanding.
"""

import jax, jax.numpy as jnp
import numpy as np

USER_NUM = 1000000
ITEM_NUM = 100000
B = 16384


def _xavier_uniform(key, shape):
    fan_in, fan_out = shape[0], shape[1]
    bound = float(np.sqrt(6.0 / (fan_in + fan_out)))
    return jax.random.uniform(key, shape, jnp.float32, -bound, bound)


def setup_inputs(seed: int = 0) -> dict:
    key = jax.random.key(seed)
    ks = jax.random.split(key, 6)
    user_w = _xavier_uniform(ks[0], (USER_NUM, 1))
    a_w = _xavier_uniform(ks[1], (ITEM_NUM, 1))
    b_w = _xavier_uniform(ks[2], (ITEM_NUM, 1))
    user_id = jax.random.randint(ks[3], (B,), 0, USER_NUM, dtype=jnp.int64) if jax.config.jax_enable_x64 else jax.random.randint(ks[3], (B,), 0, USER_NUM, dtype=jnp.int32)
    item_id = jax.random.randint(ks[4], (B,), 0, ITEM_NUM, dtype=jnp.int32)
    score = jax.random.uniform(ks[5], (B,), jnp.float32, 0.0, 1.0)
    return {
        "user_id": user_id,
        "item_id": item_id,
        "score": score,
        "user_w": user_w,
        "a_w": a_w,
        "b_w": b_w,
    }


def reference(user_id, item_id, score, user_w, a_w, b_w):
    # user_embedding_layer(user_id) -> gather
    user_embeddings = jnp.take(user_w, user_id, axis=0)  # [B, 1]
    alpha = jnp.take(a_w, item_id, axis=0)               # [B, 1]
    beta = jnp.take(b_w, item_id, axis=0)                # [B, 1]
    pred = alpha * (user_embeddings - beta)              # [B, 1]
    pred = jnp.squeeze(jax.nn.sigmoid(pred), 1)          # [B]
    # nn.BCELoss (mean reduction), with log clamp like torch (log clamped at -100)
    log_p = jnp.maximum(jnp.log(pred), -100.0)
    log_1mp = jnp.maximum(jnp.log(1.0 - pred), -100.0)
    loss = -jnp.mean(score * log_p + (1.0 - score) * log_1mp)
    return pred, loss

if __name__ == "__main__":
    import jax
    _d = setup_inputs()
    print(jax.jit(kernel)(*tuple(_d.values())))

</pallas_src>

<mosaic_0001>
#map = affine_map<(d0, d1) -> (0)>
#map1 = affine_map<(d0, d1) -> (0, 0)>
module attributes {stable_mosaic.version = 14 : i64} {
  func.func @_sc_pred(%arg0: i32, %arg1: i32, %arg2: memref<16384xi32, #tpu.memory_space<hbm>>, %arg3: memref<16384xi32, #tpu.memory_space<hbm>>, %arg4: memref<1x1000000xf32, #tpu.memory_space<hbm>>, %arg5: memref<1x100000xf32, #tpu.memory_space<hbm>>, %arg6: memref<1x100000xf32, #tpu.memory_space<hbm>>, %arg7: memref<16384xf32, #tpu.memory_space<hbm>>, %arg8: memref<512xi32, #tpu.memory_space<vmem>>, %arg9: memref<512xi32, #tpu.memory_space<vmem>>, %arg10: memref<512xf32, #tpu.memory_space<vmem>>, %arg11: memref<512xf32, #tpu.memory_space<vmem>>, %arg12: memref<512xf32, #tpu.memory_space<vmem>>, %arg13: memref<512xf32, #tpu.memory_space<vmem>>, %arg14: memref<!tpu.dma_semaphore, #tpu.memory_space<semaphore_mem>>, %arg15: memref<!tpu.dma_semaphore, #tpu.memory_space<semaphore_mem>>, %arg16: memref<!tpu.dma_semaphore, #tpu.memory_space<semaphore_mem>>, %arg17: memref<!tpu.dma_semaphore, #tpu.memory_space<semaphore_mem>>, %arg18: memref<!tpu.dma_semaphore, #tpu.memory_space<semaphore_mem>>, %arg19: memref<!tpu.dma_semaphore, #tpu.memory_space<semaphore_mem>>, %arg20: memref<!tpu.dma_semaphore, #tpu.memory_space<semaphore_mem>>) attributes {dimension_semantics = [#tpu.dimension_semantics<core_parallel>, #tpu.dimension_semantics<subcore_parallel>], iteration_bounds = array<i64: 2, 16>, scalar_prefetch = 0 : i64, scratch_operands = 13 : i64, tpu.core_type = #tpu.core_type<sc_vector_subcore>, window_params = [{transform_indices = #map}, {transform_indices = #map}, {transform_indices = #map1}, {transform_indices = #map1}, {transform_indices = #map1}, {transform_indices = #map}]} {
    %mul3A = arith.constant 2 : i32
    %mul3A_0 = arith.muli %arg1, %mul3A : i32
    %add3A = arith.addi %mul3A_0, %arg0 : i32
    %mul3A_1 = arith.constant 512 : i32
    %mul3A_2 = arith.muli %add3A, %mul3A_1 : i32
    %dma_start3A = tpu.memref_slice %arg2[%mul3A_2] : memref<16384xi32, #tpu.memory_space<hbm>> -> memref<512xi32, #tpu.memory_space<hbm>>
    %dma_start3A_3 = tpu.memref_slice %arg2[%mul3A_2] : memref<16384xi32, #tpu.memory_space<hbm>> -> memref<512xi32, #tpu.memory_space<hbm>>
    tpu.enqueue_dma source(%dma_start3A_3 : memref<512xi32, #tpu.memory_space<hbm>>) target(%arg8 : memref<512xi32, #tpu.memory_space<vmem>>) target_semaphore(%arg14 : memref<!tpu.dma_semaphore, #tpu.memory_space<semaphore_mem>>)
    %dma_start3A_4 = tpu.memref_slice %arg3[%mul3A_2] : memref<16384xi32, #tpu.memory_space<hbm>> -> memref<512xi32, #tpu.memory_space<hbm>>
    %dma_start3A_5 = tpu.memref_slice %arg3[%mul3A_2] : memref<16384xi32, #tpu.memory_space<hbm>> -> memref<512xi32, #tpu.memory_space<hbm>>
    tpu.enqueue_dma source(%dma_start3A_5 : memref<512xi32, #tpu.memory_space<hbm>>) target(%arg9 : memref<512xi32, #tpu.memory_space<vmem>>) target_semaphore(%arg15 : memref<!tpu.dma_semaphore, #tpu.memory_space<semaphore_mem>>)
    %dma_wait3A = tpu.memref_slice %arg2[%mul3A_2] : memref<16384xi32, #tpu.memory_space<hbm>> -> memref<512xi32, #tpu.memory_space<hbm>>
    %dma_wait3A_6 = tpu.memref_slice %arg2[%mul3A_2] : memref<16384xi32, #tpu.memory_space<hbm>> -> memref<512xi32, #tpu.memory_space<hbm>>
    tpu.wait_dma2 semaphore(%arg14 : memref<!tpu.dma_semaphore, #tpu.memory_space<semaphore_mem>>) src(%dma_wait3A_6 : memref<512xi32, #tpu.memory_space<hbm>>) dst(%arg8 : memref<512xi32, #tpu.memory_space<vmem>>)
    %dma_start3A_7 = arith.constant 0 : i32
    %dma_start3A_8 = arith.constant 0 : i32
    %dma_start3A_9 = tpu.memref_slice %arg10[%dma_start3A_8] : memref<512xf32, #tpu.memory_space<vmem>> -> memref<128xf32, #tpu.memory_space<vmem>>
    %dma_start3A_10 = arith.constant 0 : i32
    %dma_start3A_11 = tpu.memref_slice %arg8[%dma_start3A_10] : memref<512xi32, #tpu.memory_space<vmem>> -> memref<128xi32, #tpu.memory_space<vmem>>
    %dma_start3A_12 = arith.constant 0 : i32
    %dma_start3A_13 = tpu.memref_slice %arg4[%dma_start3A_7, %dma_start3A_12] : memref<1x1000000xf32, #tpu.memory_space<hbm>> -> memref<1x1000000xf32, #tpu.memory_space<hbm>>
    %dma_start3A_14 = tpu.memref_squeeze %dma_start3A_13 : memref<1x1000000xf32, #tpu.memory_space<hbm>> -> memref<1000000xf32, #tpu.memory_space<hbm>>
    %dma_start3A_15 = arith.constant 0 : i32
    %dma_start3A_16 = tpu.memref_slice %dma_start3A_14[%dma_start3A_15] : memref<1000000xf32, #tpu.memory_space<hbm>> -> memref<1000000xf32, #tpu.memory_space<hbm>>
    tpu.enqueue_indirect_dma source(%dma_start3A_16 : memref<1000000xf32, #tpu.memory_space<hbm>>) target(%dma_start3A_9 : memref<128xf32, #tpu.memory_space<vmem>>) offsets(%dma_start3A_11 : memref<128xi32, #tpu.memory_space<vmem>>) semaphore(%arg17 : memref<!tpu.dma_semaphore, #tpu.memory_space<semaphore_mem>>)
    %dma_start3A_17 = arith.constant 0 : i32
    %dma_start3A_18 = arith.constant 128 : i32
    %dma_start3A_19 = tpu.memref_slice %arg10[%dma_start3A_18] : memref<512xf32, #tpu.memory_space<vmem>> -> memref<128xf32, #tpu.memory_space<vmem>>
    %dma_start3A_20 = arith.constant 128 : i32
    %dma_start3A_21 = tpu.memref_slice %arg8[%dma_start3A_20] : memref<512xi32, #tpu.memory_space<vmem>> -> memref<128xi32, #tpu.memory_space<vmem>>
    %dma_start3A_22 = arith.constant 0 : i32
    %dma_start3A_23 = tpu.memref_slice %arg4[%dma_start3A_17, %dma_start3A_22] : memref<1x1000000xf32, #tpu.memory_space<hbm>> -> memref<1x1000000xf32, #tpu.memory_space<hbm>>
    %dma_start3A_24 = tpu.memref_squeeze %dma_start3A_23 : memref<1x1000000xf32, #tpu.memory_space<hbm>> -> memref<1000000xf32, #tpu.memory_space<hbm>>
    %dma_start3A_25 = arith.constant 0 : i32
    %dma_start3A_26 = tpu.memref_slice %dma_start3A_24[%dma_start3A_25] : memref<1000000xf32, #tpu.memory_space<hbm>> -> memref<1000000xf32, #tpu.memory_space<hbm>>
    tpu.enqueue_indirect_dma source(%dma_start3A_26 : memref<1000000xf32, #tpu.memory_space<hbm>>) target(%dma_start3A_19 : memref<128xf32, #tpu.memory_space<vmem>>) offsets(%dma_start3A_21 : memref<128xi32, #tpu.memory_space<vmem>>) semaphore(%arg18 : memref<!tpu.dma_semaphore, #tpu.memory_space<semaphore_mem>>)
    %dma_start3A_27 = arith.constant 0 : i32
    %dma_start3A_28 = arith.constant 256 : i32
    %dma_start3A_29 = tpu.memref_slice %arg10[%dma_start3A_28] : memref<512xf32, #tpu.memory_space<vmem>> -> memref<128xf32, #tpu.memory_space<vmem>>
    %dma_start3A_30 = arith.constant 256 : i32
    %dma_start3A_31 = tpu.memref_slice %arg8[%dma_start3A_30] : memref<512xi32, #tpu.memory_space<vmem>> -> memref<128xi32, #tpu.memory_space<vmem>>
    %dma_start3A_32 = arith.constant 0 : i32
    %dma_start3A_33 = tpu.memref_slice %arg4[%dma_start3A_27, %dma_start3A_32] : memref<1x1000000xf32, #tpu.memory_space<hbm>> -> memref<1x1000000xf32, #tpu.memory_space<hbm>>
    %dma_start3A_34 = tpu.memref_squeeze %dma_start3A_33 : memref<1x1000000xf32, #tpu.memory_space<hbm>> -> memref<1000000xf32, #tpu.memory_space<hbm>>
    %dma_start3A_35 = arith.constant 0 : i32
    %dma_start3A_36 = tpu.memref_slice %dma_start3A_34[%dma_start3A_35] : memref<1000000xf32, #tpu.memory_space<hbm>> -> memref<1000000xf32, #tpu.memory_space<hbm>>
    tpu.enqueue_indirect_dma source(%dma_start3A_36 : memref<1000000xf32, #tpu.memory_space<hbm>>) target(%dma_start3A_29 : memref<128xf32, #tpu.memory_space<vmem>>) offsets(%dma_start3A_31 : memref<128xi32, #tpu.memory_space<vmem>>) semaphore(%arg19 : memref<!tpu.dma_semaphore, #tpu.memory_space<semaphore_mem>>)
    %dma_start3A_37 = arith.constant 0 : i32
    %dma_start3A_38 = arith.constant 384 : i32
    %dma_start3A_39 = tpu.memref_slice %arg10[%dma_start3A_38] : memref<512xf32, #tpu.memory_space<vmem>> -> memref<128xf32, #tpu.memory_space<vmem>>
    %dma_start3A_40 = arith.constant 384 : i32
    %dma_start3A_41 = tpu.memref_slice %arg8[%dma_start3A_40] : memref<512xi32, #tpu.memory_space<vmem>> -> memref<128xi32, #tpu.memory_space<vmem>>
    %dma_start3A_42 = arith.constant 0 : i32
    %dma_start3A_43 = tpu.memref_slice %arg4[%dma_start3A_37, %dma_start3A_42] : memref<1x1000000xf32, #tpu.memory_space<hbm>> -> memref<1x1000000xf32, #tpu.memory_space<hbm>>
    %dma_start3A_44 = tpu.memref_squeeze %dma_start3A_43 : memref<1x1000000xf32, #tpu.memory_space<hbm>> -> memref<1000000xf32, #tpu.memory_space<hbm>>
    %dma_start3A_45 = arith.constant 0 : i32
    %dma_start3A_46 = tpu.memref_slice %dma_start3A_44[%dma_start3A_45] : memref<1000000xf32, #tpu.memory_space<hbm>> -> memref<1000000xf32, #tpu.memory_space<hbm>>
    tpu.enqueue_indirect_dma source(%dma_start3A_46 : memref<1000000xf32, #tpu.memory_space<hbm>>) target(%dma_start3A_39 : memref<128xf32, #tpu.memory_space<vmem>>) offsets(%dma_start3A_41 : memref<128xi32, #tpu.memory_space<vmem>>) semaphore(%arg20 : memref<!tpu.dma_semaphore, #tpu.memory_space<semaphore_mem>>)
    %dma_wait3A_47 = tpu.memref_slice %arg3[%mul3A_2] : memref<16384xi32, #tpu.memory_space<hbm>> -> memref<512xi32, #tpu.memory_space<hbm>>
    %dma_wait3A_48 = tpu.memref_slice %arg3[%mul3A_2] : memref<16384xi32, #tpu.memory_space<hbm>> -> memref<512xi32, #tpu.memory_space<hbm>>
    tpu.wait_dma2 semaphore(%arg15 : memref<!tpu.dma_semaphore, #tpu.memory_space<semaphore_mem>>) src(%dma_wait3A_48 : memref<512xi32, #tpu.memory_space<hbm>>) dst(%arg9 : memref<512xi32, #tpu.memory_space<vmem>>)
    %dma_start3A_49 = arith.constant 0 : i32
    %dma_start3A_50 = arith.constant 0 : i32
    %dma_start3A_51 = tpu.memref_slice %arg11[%dma_start3A_50] : memref<512xf32, #tpu.memory_space<vmem>> -> memref<128xf32, #tpu.memory_space<vmem>>
    %dma_start3A_52 = arith.constant 0 : i32
    %dma_start3A_53 = tpu.memref_slice %arg9[%dma_start3A_52] : memref<512xi32, #tpu.memory_space<vmem>> -> memref<128xi32, #tpu.memory_space<vmem>>
    %dma_start3A_54 = arith.constant 0 : i32
    %dma_start3A_55 = tpu.memref_slice %arg5[%dma_start3A_49, %dma_start3A_54] : memref<1x100000xf32, #tpu.memory_space<hbm>> -> memref<1x100000xf32, #tpu.memory_space<hbm>>
    %dma_start3A_56 = tpu.memref_squeeze %dma_start3A_55 : memref<1x100000xf32, #tpu.memory_space<hbm>> -> memref<100000xf32, #tpu.memory_space<hbm>>
    %dma_start3A_57 = arith.constant 0 : i32
    %dma_start3A_58 = tpu.memref_slice %dma_start3A_56[%dma_start3A_57] : memref<100000xf32, #tpu.memory_space<hbm>> -> memref<100000xf32, #tpu.memory_space<hbm>>
    tpu.enqueue_indirect_dma source(%dma_start3A_58 : memref<100000xf32, #tpu.memory_space<hbm>>) target(%dma_start3A_51 : memref<128xf32, #tpu.memory_space<vmem>>) offsets(%dma_start3A_53 : memref<128xi32, #tpu.memory_space<vmem>>) semaphore(%arg17 : memref<!tpu.dma_semaphore, #tpu.memory_space<semaphore_mem>>)
    %dma_start3A_59 = arith.constant 0 : i32
    %dma_start3A_60 = arith.constant 0 : i32
    %dma_start3A_61 = tpu.memref_slice %arg12[%dma_start3A_60] : memref<512xf32, #tpu.memory_space<vmem>> -> memref<128xf32, #tpu.memory_space<vmem>>
    %dma_start3A_62 = arith.constant 0 : i32
    %dma_start3A_63 = tpu.memref_slice %arg9[%dma_start3A_62] : memref<512xi32, #tpu.memory_space<vmem>> -> memref<128xi32, #tpu.memory_space<vmem>>
    %dma_start3A_64 = arith.constant 0 : i32
    %dma_start3A_65 = tpu.memref_slice %arg6[%dma_start3A_59, %dma_start3A_64] : memref<1x100000xf32, #tpu.memory_space<hbm>> -> memref<1x100000xf32, #tpu.memory_space<hbm>>
    %dma_start3A_66 = tpu.memref_squeeze %dma_start3A_65 : memref<1x100000xf32, #tpu.memory_space<hbm>> -> memref<100000xf32, #tpu.memory_space<hbm>>
    %dma_start3A_67 = arith.constant 0 : i32
    %dma_start3A_68 = tpu.memref_slice %dma_start3A_66[%dma_start3A_67] : memref<100000xf32, #tpu.memory_space<hbm>> -> memref<100000xf32, #tpu.memory_space<hbm>>
    tpu.enqueue_indirect_dma source(%dma_start3A_68 : memref<100000xf32, #tpu.memory_space<hbm>>) target(%dma_start3A_61 : memref<128xf32, #tpu.memory_space<vmem>>) offsets(%dma_start3A_63 : memref<128xi32, #tpu.memory_space<vmem>>) semaphore(%arg17 : memref<!tpu.dma_semaphore, #tpu.memory_space<semaphore_mem>>)
    %dma_start3A_69 = arith.constant 0 : i32
    %dma_start3A_70 = arith.constant 128 : i32
    %dma_start3A_71 = tpu.memref_slice %arg11[%dma_start3A_70] : memref<512xf32, #tpu.memory_space<vmem>> -> memref<128xf32, #tpu.memory_space<vmem>>
    %dma_start3A_72 = arith.constant 128 : i32
    %dma_start3A_73 = tpu.memref_slice %arg9[%dma_start3A_72] : memref<512xi32, #tpu.memory_space<vmem>> -> memref<128xi32, #tpu.memory_space<vmem>>
    %dma_start3A_74 = arith.constant 0 : i32
    %dma_start3A_75 = tpu.memref_slice %arg5[%dma_start3A_69, %dma_start3A_74] : memref<1x100000xf32, #tpu.memory_space<hbm>> -> memref<1x100000xf32, #tpu.memory_space<hbm>>
    %dma_start3A_76 = tpu.memref_squeeze %dma_start3A_75 : memref<1x100000xf32, #tpu.memory_space<hbm>> -> memref<100000xf32, #tpu.memory_space<hbm>>
    %dma_start3A_77 = arith.constant 0 : i32
    %dma_start3A_78 = tpu.memref_slice %dma_start3A_76[%dma_start3A_77] : memref<100000xf32, #tpu.memory_space<hbm>> -> memref<100000xf32, #tpu.memory_space<hbm>>
    tpu.enqueue_indirect_dma source(%dma_start3A_78 : memref<100000xf32, #tpu.memory_space<hbm>>) target(%dma_start3A_71 : memref<128xf32, #tpu.memory_space<vmem>>) offsets(%dma_start3A_73 : memref<128xi32, #tpu.memory_space<vmem>>) semaphore(%arg18 : memref<!tpu.dma_semaphore, #tpu.memory_space<semaphore_mem>>)
    %dma_start3A_79 = arith.constant 0 : i32
    %dma_start3A_80 = arith.constant 128 : i32
    %dma_start3A_81 = tpu.memref_slice %arg12[%dma_start3A_80] : memref<512xf32, #tpu.memory_space<vmem>> -> memref<128xf32, #tpu.memory_space<vmem>>
    %dma_start3A_82 = arith.constant 128 : i32
    %dma_start3A_83 = tpu.memref_slice %arg9[%dma_start3A_82] : memref<512xi32, #tpu.memory_space<vmem>> -> memref<128xi32, #tpu.memory_space<vmem>>
    %dma_start3A_84 = arith.constant 0 : i32
    %dma_start3A_85 = tpu.memref_slice %arg6[%dma_start3A_79, %dma_start3A_84] : memref<1x100000xf32, #tpu.memory_space<hbm>> -> memref<1x100000xf32, #tpu.memory_space<hbm>>
    %dma_start3A_86 = tpu.memref_squeeze %dma_start3A_85 : memref<1x100000xf32, #tpu.memory_space<hbm>> -> memref<100000xf32, #tpu.memory_space<hbm>>
    %dma_start3A_87 = arith.constant 0 : i32
    %dma_start3A_88 = tpu.memref_slice %dma_start3A_86[%dma_start3A_87] : memref<100000xf32, #tpu.memory_space<hbm>> -> memref<100000xf32, #tpu.memory_space<hbm>>
    tpu.enqueue_indirect_dma source(%dma_start3A_88 : memref<100000xf32, #tpu.memory_space<hbm>>) target(%dma_start3A_81 : memref<128xf32, #tpu.memory_space<vmem>>) offsets(%dma_start3A_83 : memref<128xi32, #tpu.memory_space<vmem>>) semaphore(%arg18 : memref<!tpu.dma_semaphore, #tpu.memory_space<semaphore_mem>>)
    %dma_start3A_89 = arith.constant 0 : i32
    %dma_start3A_90 = arith.constant 256 : i32
    %dma_start3A_91 = tpu.memref_slice %arg11[%dma_start3A_90] : memref<512xf32, #tpu.memory_space<vmem>> -> memref<128xf32, #tpu.memory_space<vmem>>
    %dma_start3A_92 = arith.constant 256 : i32
    %dma_start3A_93 = tpu.memref_slice %arg9[%dma_start3A_92] : memref<512xi32, #tpu.memory_space<vmem>> -> memref<128xi32, #tpu.memory_space<vmem>>
    %dma_start3A_94 = arith.constant 0 : i32
    %dma_start3A_95 = tpu.memref_slice %arg5[%dma_start3A_89, %dma_start3A_94] : memref<1x100000xf32, #tpu.memory_space<hbm>> -> memref<1x100000xf32, #tpu.memory_space<hbm>>
    %dma_start3A_96 = tpu.memref_squeeze %dma_start3A_95 : memref<1x100000xf32, #tpu.memory_space<hbm>> -> memref<100000xf32, #tpu.memory_space<hbm>>
    %dma_start3A_97 = arith.constant 0 : i32
    %dma_start3A_98 = tpu.memref_slice %dma_start3A_96[%dma_start3A_97] : memref<100000xf32, #tpu.memory_space<hbm>> -> memref<100000xf32, #tpu.memory_space<hbm>>
    tpu.enqueue_indirect_dma source(%dma_start3A_98 : memref<100000xf32, #tpu.memory_space<hbm>>) target(%dma_start3A_91 : memref<128xf32, #tpu.memory_space<vmem>>) offsets(%dma_start3A_93 : memref<128xi32, #tpu.memory_space<vmem>>) semaphore(%arg19 : memref<!tpu.dma_semaphore, #tpu.memory_space<semaphore_mem>>)
    %dma_start3A_99 = arith.constant 0 : i32
    %dma_start3A_100 = arith.constant 256 : i32
    %dma_start3A_101 = tpu.memref_slice %arg12[%dma_start3A_100] : memref<512xf32, #tpu.memory_space<vmem>> -> memref<128xf32, #tpu.memory_space<vmem>>
    %dma_start3A_102 = arith.constant 256 : i32
    %dma_start3A_103 = tpu.memref_slice %arg9[%dma_start3A_102] : memref<512xi32, #tpu.memory_space<vmem>> -> memref<128xi32, #tpu.memory_space<vmem>>
    %dma_start3A_104 = arith.constant 0 : i32
    %dma_start3A_105 = tpu.memref_slice %arg6[%dma_start3A_99, %dma_start3A_104] : memref<1x100000xf32, #tpu.memory_space<hbm>> -> memref<1x100000xf32, #tpu.memory_space<hbm>>
    %dma_start3A_106 = tpu.memref_squeeze %dma_start3A_105 : memref<1x100000xf32, #tpu.memory_space<hbm>> -> memref<100000xf32, #tpu.memory_space<hbm>>
    %dma_start3A_107 = arith.constant 0 : i32
    %dma_start3A_108 = tpu.memref_slice %dma_start3A_106[%dma_start3A_107] : memref<100000xf32, #tpu.memory_space<hbm>> -> memref<100000xf32, #tpu.memory_space<hbm>>
    tpu.enqueue_indirect_dma source(%dma_start3A_108 : memref<100000xf32, #tpu.memory_space<hbm>>) target(%dma_start3A_101 : memref<128xf32, #tpu.memory_space<vmem>>) offsets(%dma_start3A_103 : memref<128xi32, #tpu.memory_space<vmem>>) semaphore(%arg19 : memref<!tpu.dma_semaphore, #tpu.memory_space<semaphore_mem>>)
    %dma_start3A_109 = arith.constant 0 : i32
    %dma_start3A_110 = arith.constant 384 : i32
    %dma_start3A_111 = tpu.memref_slice %arg11[%dma_start3A_110] : memref<512xf32, #tpu.memory_space<vmem>> -> memref<128xf32, #tpu.memory_space<vmem>>
    %dma_start3A_112 = arith.constant 384 : i32
    %dma_start3A_113 = tpu.memref_slice %arg9[%dma_start3A_112] : memref<512xi32, #tpu.memory_space<vmem>> -> memref<128xi32, #tpu.memory_space<vmem>>
    %dma_start3A_114 = arith.constant 0 : i32
    %dma_start3A_115 = tpu.memref_slice %arg5[%dma_start3A_109, %dma_start3A_114] : memref<1x100000xf32, #tpu.memory_space<hbm>> -> memref<1x100000xf32, #tpu.memory_space<hbm>>
    %dma_start3A_116 = tpu.memref_squeeze %dma_start3A_115 : memref<1x100000xf32, #tpu.memory_space<hbm>> -> memref<100000xf32, #tpu.memory_space<hbm>>
    %dma_start3A_117 = arith.constant 0 : i32
    %dma_start3A_118 = tpu.memref_slice %dma_start3A_116[%dma_start3A_117] : memref<100000xf32, #tpu.memory_space<hbm>> -> memref<100000xf32, #tpu.memory_space<hbm>>
    tpu.enqueue_indirect_dma source(%dma_start3A_118 : memref<100000xf32, #tpu.memory_space<hbm>>) target(%dma_start3A_111 : memref<128xf32, #tpu.memory_space<vmem>>) offsets(%dma_start3A_113 : memref<128xi32, #tpu.memory_space<vmem>>) semaphore(%arg20 : memref<!tpu.dma_semaphore, #tpu.memory_space<semaphore_mem>>)
    %dma_start3A_119 = arith.constant 0 : i32
    %dma_start3A_120 = arith.constant 384 : i32
    %dma_start3A_121 = tpu.memref_slice %arg12[%dma_start3A_120] : memref<512xf32, #tpu.memory_space<vmem>> -> memref<128xf32, #tpu.memory_space<vmem>>
    %dma_start3A_122 = arith.constant 384 : i32
    %dma_start3A_123 = tpu.memref_slice %arg9[%dma_start3A_122] : memref<512xi32, #tpu.memory_space<vmem>> -> memref<128xi32, #tpu.memory_space<vmem>>
    %dma_start3A_124 = arith.constant 0 : i32
    %dma_start3A_125 = tpu.memref_slice %arg6[%dma_start3A_119, %dma_start3A_124] : memref<1x100000xf32, #tpu.memory_space<hbm>> -> memref<1x100000xf32, #tpu.memory_space<hbm>>
    %dma_start3A_126 = tpu.memref_squeeze %dma_start3A_125 : memref<1x100000xf32, #tpu.memory_space<hbm>> -> memref<100000xf32, #tpu.memory_space<hbm>>
    %dma_start3A_127 = arith.constant 0 : i32
    %dma_start3A_128 = tpu.memref_slice %dma_start3A_126[%dma_start3A_127] : memref<100000xf32, #tpu.memory_space<hbm>> -> memref<100000xf32, #tpu.memory_space<hbm>>
    tpu.enqueue_indirect_dma source(%dma_start3A_128 : memref<100000xf32, #tpu.memory_space<hbm>>) target(%dma_start3A_121 : memref<128xf32, #tpu.memory_space<vmem>>) offsets(%dma_start3A_123 : memref<128xi32, #tpu.memory_space<vmem>>) semaphore(%arg20 : memref<!tpu.dma_semaphore, #tpu.memory_space<semaphore_mem>>)
    %dma_wait3A_129 = arith.constant 0 : i32
    %dma_wait3A_130 = arith.constant 0 : i32
    %dma_wait3A_131 = tpu.memref_slice %arg10[%dma_wait3A_130] : memref<512xf32, #tpu.memory_space<vmem>> -> memref<128xf32, #tpu.memory_space<vmem>>
    %dma_wait3A_132 = arith.constant 0 : i32
    %dma_wait3A_133 = tpu.memref_slice %arg8[%dma_wait3A_132] : memref<512xi32, #tpu.memory_space<vmem>> -> memref<128xi32, #tpu.memory_space<vmem>>
    %dma_wait3A_134 = arith.constant 0 : i32
    %dma_wait3A_135 = tpu.memref_slice %arg4[%dma_wait3A_129, %dma_wait3A_134] : memref<1x1000000xf32, #tpu.memory_space<hbm>> -> memref<1x1000000xf32, #tpu.memory_space<hbm>>
    %dma_wait3A_136 = tpu.memref_squeeze %dma_wait3A_135 : memref<1x1000000xf32, #tpu.memory_space<hbm>> -> memref<1000000xf32, #tpu.memory_space<hbm>>
    %dma_wait3A_137 = arith.constant 0 : i32
    %dma_wait3A_138 = tpu.memref_slice %dma_wait3A_136[%dma_wait3A_137] : memref<1000000xf32, #tpu.memory_space<hbm>> -> memref<1000000xf32, #tpu.memory_space<hbm>>
    tpu.wait_indirect_dma semaphore(%arg17 : memref<!tpu.dma_semaphore, #tpu.memory_space<semaphore_mem>>) src(%dma_wait3A_138 : memref<1000000xf32, #tpu.memory_space<hbm>>) dst(%dma_wait3A_131 : memref<128xf32, #tpu.memory_space<vmem>>)
    %dma_wait3A_139 = arith.constant 0 : i32
    %dma_wait3A_140 = arith.constant 0 : i32
    %dma_wait3A_141 = tpu.memref_slice %arg11[%dma_wait3A_140] : memref<512xf32, #tpu.memory_space<vmem>> -> memref<128xf32, #tpu.memory_space<vmem>>
    %dma_wait3A_142 = arith.constant 0 : i32
    %dma_wait3A_143 = tpu.memref_slice %arg9[%dma_wait3A_142] : memref<512xi32, #tpu.memory_space<vmem>> -> memref<128xi32, #tpu.memory_space<vmem>>
    %dma_wait3A_144 = arith.constant 0 : i32
    %dma_wait3A_145 = tpu.memref_slice %arg5[%dma_wait3A_139, %dma_wait3A_144] : memref<1x100000xf32, #tpu.memory_space<hbm>> -> memref<1x100000xf32, #tpu.memory_space<hbm>>
    %dma_wait3A_146 = tpu.memref_squeeze %dma_wait3A_145 : memref<1x100000xf32, #tpu.memory_space<hbm>> -> memref<100000xf32, #tpu.memory_space<hbm>>
    %dma_wait3A_147 = arith.constant 0 : i32
    %dma_wait3A_148 = tpu.memref_slice %dma_wait3A_146[%dma_wait3A_147] : memref<100000xf32, #tpu.memory_space<hbm>> -> memref<100000xf32, #tpu.memory_space<hbm>>
    tpu.wait_indirect_dma semaphore(%arg17 : memref<!tpu.dma_semaphore, #tpu.memory_space<semaphore_mem>>) src(%dma_wait3A_148 : memref<100000xf32, #tpu.memory_space<hbm>>) dst(%dma_wait3A_141 : memref<128xf32, #tpu.memory_space<vmem>>)
    %dma_wait3A_149 = arith.constant 0 : i32
    %dma_wait3A_150 = arith.constant 0 : i32
    %dma_wait3A_151 = tpu.memref_slice %arg12[%dma_wait3A_150] : memref<512xf32, #tpu.memory_space<vmem>> -> memref<128xf32, #tpu.memory_space<vmem>>
    %dma_wait3A_152 = arith.constant 0 : i32
    %dma_wait3A_153 = tpu.memref_slice %arg9[%dma_wait3A_152] : memref<512xi32, #tpu.memory_space<vmem>> -> memref<128xi32, #tpu.memory_space<vmem>>
    %dma_wait3A_154 = arith.constant 0 : i32
    %dma_wait3A_155 = tpu.memref_slice %arg6[%dma_wait3A_149, %dma_wait3A_154] : memref<1x100000xf32, #tpu.memory_space<hbm>> -> memref<1x100000xf32, #tpu.memory_space<hbm>>
    %dma_wait3A_156 = tpu.memref_squeeze %dma_wait3A_155 : memref<1x100000xf32, #tpu.memory_space<hbm>> -> memref<100000xf32, #tpu.memory_space<hbm>>
    %dma_wait3A_157 = arith.constant 0 : i32
    %dma_wait3A_158 = tpu.memref_slice %dma_wait3A_156[%dma_wait3A_157] : memref<100000xf32, #tpu.memory_space<hbm>> -> memref<100000xf32, #tpu.memory_space<hbm>>
    tpu.wait_indirect_dma semaphore(%arg17 : memref<!tpu.dma_semaphore, #tpu.memory_space<semaphore_mem>>) src(%dma_wait3A_158 : memref<100000xf32, #tpu.memory_space<hbm>>) dst(%dma_wait3A_151 : memref<128xf32, #tpu.memory_space<vmem>>)
    %scan3A = arith.constant 0 : i32
    %scan3A_159 = arith.constant 0 : i32
    %scan3A_160 = arith.constant 8 : i32
    %scan3A_161 = arith.addi %scan3A_159, %scan3A_160 : i32
    %scan3A_162 = arith.constant 1 : i32
    scf.for %scan3A_328 = %scan3A_159 to %scan3A_161 step %scan3A_162  : i32 {
      %mul3A_329 = arith.constant 16 : i32
      %mul3A_330 = arith.muli %scan3A_328, %mul3A_329 : i32
      %add3A_331 = arith.constant 0 : i32
      %add3A_332 = arith.addi %add3A_331, %mul3A_330 : i32
      %get3A = arith.index_cast %add3A_332 : i32 to index
      %get3A_333 = tpu.vector_load %arg11[%get3A] {strides = array<i32>} : memref<512xf32, #tpu.memory_space<vmem>>, vector<16xf32>,
      %get3A_334 = vector.shape_cast %get3A_333 : vector<16xf32> to vector<16xf32>
      %get3A_335 = arith.index_cast %add3A_332 : i32 to index
      %get3A_336 = tpu.vector_load %arg10[%get3A_335] {strides = array<i32>} : memref<512xf32, #tpu.memory_space<vmem>>, vector<16xf32>,
      %get3A_337 = vector.shape_cast %get3A_336 : vector<16xf32> to vector<16xf32>
      %get3A_338 = arith.index_cast %add3A_332 : i32 to index
      %get3A_339 = tpu.vector_load %arg12[%get3A_338] {strides = array<i32>} : memref<512xf32, #tpu.memory_space<vmem>>, vector<16xf32>,
      %get3A_340 = vector.shape_cast %get3A_339 : vector<16xf32> to vector<16xf32>
      %sub3A = arith.subf %get3A_337, %get3A_340 : vector<16xf32>
      %mul3A_341 = arith.mulf %get3A_334, %sub3A : vector<16xf32>
      %neg3A = arith.constant 0.000000e+00 : f32
      %neg3A_342 = vector.broadcast %neg3A : f32 to vector<16xf32>
      %neg3A_343 = arith.subf %neg3A_342, %mul3A_341 : vector<16xf32>
      %exp3A = math.exp %neg3A_343 : vector<16xf32>
      %add3A_344 = arith.constant 1.000000e+00 : f32
      %add3A_345 = vector.broadcast %add3A_344 : f32 to vector<16xf32>
      %add3A_346 = arith.addf %add3A_345, %exp3A : vector<16xf32>
      %div3A = arith.constant 1.000000e+00 : f32
      %div3A_347 = vector.broadcast %div3A : f32 to vector<16xf32>
      %div3A_348 = arith.divf %div3A_347, %add3A_346 : vector<16xf32>
      %swap3A = arith.index_cast %add3A_332 : i32 to index
      %swap3A_349 = tpu.vector_load %arg13[%swap3A] {strides = array<i32>} : memref<512xf32, #tpu.memory_space<vmem>>, vector<16xf32>,
      %swap3A_350 = vector.shape_cast %swap3A_349 : vector<16xf32> to vector<16xf32>
      %swap3A_351 = vector.shape_cast %div3A_348 : vector<16xf32> to vector<16xf32>
      tpu.vector_store %arg13[%swap3A], %swap3A_351 {strides = array<i32>} : memref<512xf32, #tpu.memory_space<vmem>>, vector<16xf32>,
    }
    %scan3A_163 = arith.constant 8 : i32
    %add3A_164 = arith.constant 0 : i32
    %add3A_165 = arith.addi %mul3A_2, %add3A_164 : i32
    %dma_start3A_166 = arith.constant 0 : i32
    %dma_start3A_167 = tpu.memref_slice %arg13[%dma_start3A_166] : memref<512xf32, #tpu.memory_space<vmem>> -> memref<128xf32, #tpu.memory_space<vmem>>
    %dma_start3A_168 = tpu.memref_slice %arg7[%add3A_165] : memref<16384xf32, #tpu.memory_space<hbm>> -> memref<128xf32, #tpu.memory_space<hbm>>
    %dma_start3A_169 = tpu.memref_slice %arg7[%add3A_165] : memref<16384xf32, #tpu.memory_space<hbm>> -> memref<128xf32, #tpu.memory_space<hbm>>
    %dma_start3A_170 = arith.constant 0 : i32
    %dma_start3A_171 = tpu.memref_slice %arg13[%dma_start3A_170] : memref<512xf32, #tpu.memory_space<vmem>> -> memref<128xf32, #tpu.memory_space<vmem>>
    tpu.enqueue_dma source(%dma_start3A_171 : memref<128xf32, #tpu.memory_space<vmem>>) target(%dma_start3A_169 : memref<128xf32, #tpu.memory_space<hbm>>) target_semaphore(%arg16 : memref<!tpu.dma_semaphore, #tpu.memory_space<semaphore_mem>>)
    %dma_wait3A_172 = arith.constant 0 : i32
    %dma_wait3A_173 = arith.constant 128 : i32
    %dma_wait3A_174 = tpu.memref_slice %arg10[%dma_wait3A_173] : memref<512xf32, #tpu.memory_space<vmem>> -> memref<128xf32, #tpu.memory_space<vmem>>
    %dma_wait3A_175 = arith.constant 128 : i32
    %dma_wait3A_176 = tpu.memref_slice %arg8[%dma_wait3A_175] : memref<512xi32, #tpu.memory_space<vmem>> -> memref<128xi32, #tpu.memory_space<vmem>>
    %dma_wait3A_177 = arith.constant 0 : i32
    %dma_wait3A_178 = tpu.memref_slice %arg4[%dma_wait3A_172, %dma_wait3A_177] : memref<1x1000000xf32, #tpu.memory_space<hbm>> -> memref<1x1000000xf32, #tpu.memory_space<hbm>>
    %dma_wait3A_179 = tpu.memref_squeeze %dma_wait3A_178 : memref<1x1000000xf32, #tpu.memory_space<hbm>> -> memref<1000000xf32, #tpu.memory_space<hbm>>
    %dma_wait3A_180 = arith.constant 0 : i32
    %dma_wait3A_181 = tpu.memref_slice %dma_wait3A_179[%dma_wait3A_180] : memref<1000000xf32, #tpu.memory_space<hbm>> -> memref<1000000xf32, #tpu.memory_space<hbm>>
    tpu.wait_indirect_dma semaphore(%arg18 : memref<!tpu.dma_semaphore, #tpu.memory_space<semaphore_mem>>) src(%dma_wait3A_181 : memref<1000000xf32, #tpu.memory_space<hbm>>) dst(%dma_wait3A_174 : memref<128xf32, #tpu.memory_space<vmem>>)
    %dma_wait3A_182 = arith.constant 0 : i32
    %dma_wait3A_183 = arith.constant 128 : i32
    %dma_wait3A_184 = tpu.memref_slice %arg11[%dma_wait3A_183] : memref<512xf32, #tpu.memory_space<vmem>> -> memref<128xf32, #tpu.memory_space<vmem>>
    %dma_wait3A_185 = arith.constant 128 : i32
    %dma_wait3A_186 = tpu.memref_slice %arg9[%dma_wait3A_185] : memref<512xi32, #tpu.memory_space<vmem>> -> memref<128xi32, #tpu.memory_space<vmem>>
    %dma_wait3A_187 = arith.constant 0 : i32
    %dma_wait3A_188 = tpu.memref_slice %arg5[%dma_wait3A_182, %dma_wait3A_187] : memref<1x100000xf32, #tpu.memory_space<hbm>> -> memref<1x100000xf32, #tpu.memory_space<hbm>>
    %dma_wait3A_189 = tpu.memref_squeeze %dma_wait3A_188 : memref<1x100000xf32, #tpu.memory_space<hbm>> -> memref<100000xf32, #tpu.memory_space<hbm>>
    %dma_wait3A_190 = arith.constant 0 : i32
    %dma_wait3A_191 = tpu.memref_slice %dma_wait3A_189[%dma_wait3A_190] : memref<100000xf32, #tpu.memory_space<hbm>> -> memref<100000xf32, #tpu.memory_space<hbm>>
    tpu.wait_indirect_dma semaphore(%arg18 : memref<!tpu.dma_semaphore, #tpu.memory_space<semaphore_mem>>) src(%dma_wait3A_191 : memref<100000xf32, #tpu.memory_space<hbm>>) dst(%dma_wait3A_184 : memref<128xf32, #tpu.memory_space<vmem>>)
    %dma_wait3A_192 = arith.constant 0 : i32
    %dma_wait3A_193 = arith.constant 128 : i32
    %dma_wait3A_194 = tpu.memref_slice %arg12[%dma_wait3A_193] : memref<512xf32, #tpu.memory_space<vmem>> -> memref<128xf32, #tpu.memory_space<vmem>>
    %dma_wait3A_195 = arith.constant 128 : i32
    %dma_wait3A_196 = tpu.memref_slice %arg9[%dma_wait3A_195] : memref<512xi32, #tpu.memory_space<vmem>> -> memref<128xi32, #tpu.memory_space<vmem>>
    %dma_wait3A_197 = arith.constant 0 : i32
    %dma_wait3A_198 = tpu.memref_slice %arg6[%dma_wait3A_192, %dma_wait3A_197] : memref<1x100000xf32, #tpu.memory_space<hbm>> -> memref<1x100000xf32, #tpu.memory_space<hbm>>
    %dma_wait3A_199 = tpu.memref_squeeze %dma_wait3A_198 : memref<1x100000xf32, #tpu.memory_space<hbm>> -> memref<100000xf32, #tpu.memory_space<hbm>>
    %dma_wait3A_200 = arith.constant 0 : i32
    %dma_wait3A_201 = tpu.memref_slice %dma_wait3A_199[%dma_wait3A_200] : memref<100000xf32, #tpu.memory_space<hbm>> -> memref<100000xf32, #tpu.memory_space<hbm>>
    tpu.wait_indirect_dma semaphore(%arg18 : memref<!tpu.dma_semaphore, #tpu.memory_space<semaphore_mem>>) src(%dma_wait3A_201 : memref<100000xf32, #tpu.memory_space<hbm>>) dst(%dma_wait3A_194 : memref<128xf32, #tpu.memory_space<vmem>>)
    %scan3A_202 = arith.constant 0 : i32
    %scan3A_203 = arith.constant 0 : i32
    %scan3A_204 = arith.constant 8 : i32
    %scan3A_205 = arith.addi %scan3A_203, %scan3A_204 : i32
    %scan3A_206 = arith.constant 1 : i32
    scf.for %scan3A_328 = %scan3A_203 to %scan3A_205 step %scan3A_206  : i32 {
      %mul3A_329 = arith.constant 16 : i32
      %mul3A_330 = arith.muli %scan3A_328, %mul3A_329 : i32
      %add3A_331 = arith.constant 128 : i32
      %add3A_332 = arith.addi %add3A_331, %mul3A_330 : i32
      %get3A = arith.index_cast %add3A_332 : i32 to index
      %get3A_333 = tpu.vector_load %arg11[%get3A] {strides = array<i32>} : memref<512xf32, #tpu.memory_space<vmem>>, vector<16xf32>,
      %get3A_334 = vector.shape_cast %get3A_333 : vector<16xf32> to vector<16xf32>
      %get3A_335 = arith.index_cast %add3A_332 : i32 to index
      %get3A_336 = tpu.vector_load %arg10[%get3A_335] {strides = array<i32>} : memref<512xf32, #tpu.memory_space<vmem>>, vector<16xf32>,
      %get3A_337 = vector.shape_cast %get3A_336 : vector<16xf32> to vector<16xf32>
      %get3A_338 = arith.index_cast %add3A_332 : i32 to index
      %get3A_339 = tpu.vector_load %arg12[%get3A_338] {strides = array<i32>} : memref<512xf32, #tpu.memory_space<vmem>>, vector<16xf32>,
      %get3A_340 = vector.shape_cast %get3A_339 : vector<16xf32> to vector<16xf32>
      %sub3A = arith.subf %get3A_337, %get3A_340 : vector<16xf32>
      %mul3A_341 = arith.mulf %get3A_334, %sub3A : vector<16xf32>
      %neg3A = arith.constant 0.000000e+00 : f32
      %neg3A_342 = vector.broadcast %neg3A : f32 to vector<16xf32>
      %neg3A_343 = arith.subf %neg3A_342, %mul3A_341 : vector<16xf32>
      %exp3A = math.exp %neg3A_343 : vector<16xf32>
      %add3A_344 = arith.constant 1.000000e+00 : f32
      %add3A_345 = vector.broadcast %add3A_344 : f32 to vector<16xf32>
      %add3A_346 = arith.addf %add3A_345, %exp3A : vector<16xf32>
      %div3A = arith.constant 1.000000e+00 : f32
      %div3A_347 = vector.broadcast %div3A : f32 to vector<16xf32>
      %div3A_348 = arith.divf %div3A_347, %add3A_346 : vector<16xf32>
      %swap3A = arith.index_cast %add3A_332 : i32 to index
      %swap3A_349 = tpu.vector_load %arg13[%swap3A] {strides = array<i32>} : memref<512xf32, #tpu.memory_space<vmem>>, vector<16xf32>,
      %swap3A_350 = vector.shape_cast %swap3A_349 : vector<16xf32> to vector<16xf32>
      %swap3A_351 = vector.shape_cast %div3A_348 : vector<16xf32> to vector<16xf32>
      tpu.vector_store %arg13[%swap3A], %swap3A_351 {strides = array<i32>} : memref<512xf32, #tpu.memory_space<vmem>>, vector<16xf32>,
    }
    %scan3A_207 = arith.constant 8 : i32
    %add3A_208 = arith.constant 128 : i32
    %add3A_209 = arith.addi %mul3A_2, %add3A_208 : i32
    %dma_start3A_210 = arith.constant 128 : i32
    %dma_start3A_211 = tpu.memref_slice %arg13[%dma_start3A_210] : memref<512xf32, #tpu.memory_space<vmem>> -> memref<128xf32, #tpu.memory_space<vmem>>
    %dma_start3A_212 = tpu.memref_slice %arg7[%add3A_209] : memref<16384xf32, #tpu.memory_space<hbm>> -> memref<128xf32, #tpu.memory_space<hbm>>
    %dma_start3A_213 = tpu.memref_slice %arg7[%add3A_209] : memref<16384xf32, #tpu.memory_space<hbm>> -> memref<128xf32, #tpu.memory_space<hbm>>
    %dma_start3A_214 = arith.constant 128 : i32
    %dma_start3A_215 = tpu.memref_slice %arg13[%dma_start3A_214] : memref<512xf32, #tpu.memory_space<vmem>> -> memref<128xf32, #tpu.memory_space<vmem>>
    tpu.enqueue_dma source(%dma_start3A_215 : memref<128xf32, #tpu.memory_space<vmem>>) target(%dma_start3A_213 : memref<128xf32, #tpu.memory_space<hbm>>) target_semaphore(%arg16 : memref<!tpu.dma_semaphore, #tpu.memory_space<semaphore_mem>>)
    %dma_wait3A_216 = arith.constant 0 : i32
    %dma_wait3A_217 = arith.constant 256 : i32
    %dma_wait3A_218 = tpu.memref_slice %arg10[%dma_wait3A_217] : memref<512xf32, #tpu.memory_space<vmem>> -> memref<128xf32, #tpu.memory_space<vmem>>
    %dma_wait3A_219 = arith.constant 256 : i32
    %dma_wait3A_220 = tpu.memref_slice %arg8[%dma_wait3A_219] : memref<512xi32, #tpu.memory_space<vmem>> -> memref<128xi32, #tpu.memory_space<vmem>>
    %dma_wait3A_221 = arith.constant 0 : i32
    %dma_wait3A_222 = tpu.memref_slice %arg4[%dma_wait3A_216, %dma_wait3A_221] : memref<1x1000000xf32, #tpu.memory_space<hbm>> -> memref<1x1000000xf32, #tpu.memory_space<hbm>>
    %dma_wait3A_223 = tpu.memref_squeeze %dma_wait3A_222 : memref<1x1000000xf32, #tpu.memory_space<hbm>> -> memref<1000000xf32, #tpu.memory_space<hbm>>
    %dma_wait3A_224 = arith.constant 0 : i32
    %dma_wait3A_225 = tpu.memref_slice %dma_wait3A_223[%dma_wait3A_224] : memref<1000000xf32, #tpu.memory_space<hbm>> -> memref<1000000xf32, #tpu.memory_space<hbm>>
    tpu.wait_indirect_dma semaphore(%arg19 : memref<!tpu.dma_semaphore, #tpu.memory_space<semaphore_mem>>) src(%dma_wait3A_225 : memref<1000000xf32, #tpu.memory_space<hbm>>) dst(%dma_wait3A_218 : memref<128xf32, #tpu.memory_space<vmem>>)
    %dma_wait3A_226 = arith.constant 0 : i32
    %dma_wait3A_227 = arith.constant 256 : i32
    %dma_wait3A_228 = tpu.memref_slice %arg11[%dma_wait3A_227] : memref<512xf32, #tpu.memory_space<vmem>> -> memref<128xf32, #tpu.memory_space<vmem>>
    %dma_wait3A_229 = arith.constant 256 : i32
    %dma_wait3A_230 = tpu.memref_slice %arg9[%dma_wait3A_229] : memref<512xi32, #tpu.memory_space<vmem>> -> memref<128xi32, #tpu.memory_space<vmem>>
    %dma_wait3A_231 = arith.constant 0 : i32
    %dma_wait3A_232 = tpu.memref_slice %arg5[%dma_wait3A_226, %dma_wait3A_231] : memref<1x100000xf32, #tpu.memory_space<hbm>> -> memref<1x100000xf32, #tpu.memory_space<hbm>>
    %dma_wait3A_233 = tpu.memref_squeeze %dma_wait3A_232 : memref<1x100000xf32, #tpu.memory_space<hbm>> -> memref<100000xf32, #tpu.memory_space<hbm>>
    %dma_wait3A_234 = arith.constant 0 : i32
    %dma_wait3A_235 = tpu.memref_slice %dma_wait3A_233[%dma_wait3A_234] : memref<100000xf32, #tpu.memory_space<hbm>> -> memref<100000xf32, #tpu.memory_space<hbm>>
    tpu.wait_indirect_dma semaphore(%arg19 : memref<!tpu.dma_semaphore, #tpu.memory_space<semaphore_mem>>) src(%dma_wait3A_235 : memref<100000xf32, #tpu.memory_space<hbm>>) dst(%dma_wait3A_228 : memref<128xf32, #tpu.memory_space<vmem>>)
    %dma_wait3A_236 = arith.constant 0 : i32
    %dma_wait3A_237 = arith.constant 256 : i32
    %dma_wait3A_238 = tpu.memref_slice %arg12[%dma_wait3A_237] : memref<512xf32, #tpu.memory_space<vmem>> -> memref<128xf32, #tpu.memory_space<vmem>>
    %dma_wait3A_239 = arith.constant 256 : i32
    %dma_wait3A_240 = tpu.memref_slice %arg9[%dma_wait3A_239] : memref<512xi32, #tpu.memory_space<vmem>> -> memref<128xi32, #tpu.memory_space<vmem>>
    %dma_wait3A_241 = arith.constant 0 : i32
    %dma_wait3A_242 = tpu.memref_slice %arg6[%dma_wait3A_236, %dma_wait3A_241] : memref<1x100000xf32, #tpu.memory_space<hbm>> -> memref<1x100000xf32, #tpu.memory_space<hbm>>
    %dma_wait3A_243 = tpu.memref_squeeze %dma_wait3A_242 : memref<1x100000xf32, #tpu.memory_space<hbm>> -> memref<100000xf32, #tpu.memory_space<hbm>>
    %dma_wait3A_244 = arith.constant 0 : i32
    %dma_wait3A_245 = tpu.memref_slice %dma_wait3A_243[%dma_wait3A_244] : memref<100000xf32, #tpu.memory_space<hbm>> -> memref<100000xf32, #tpu.memory_space<hbm>>
    tpu.wait_indirect_dma semaphore(%arg19 : memref<!tpu.dma_semaphore, #tpu.memory_space<semaphore_mem>>) src(%dma_wait3A_245 : memref<100000xf32, #tpu.memory_space<hbm>>) dst(%dma_wait3A_238 : memref<128xf32, #tpu.memory_space<vmem>>)
    %scan3A_246 = arith.constant 0 : i32
    %scan3A_247 = arith.constant 0 : i32
    %scan3A_248 = arith.constant 8 : i32
    %scan3A_249 = arith.addi %scan3A_247, %scan3A_248 : i32
    %scan3A_250 = arith.constant 1 : i32
    scf.for %scan3A_328 = %scan3A_247 to %scan3A_249 step %scan3A_250  : i32 {
      %mul3A_329 = arith.constant 16 : i32
      %mul3A_330 = arith.muli %scan3A_328, %mul3A_329 : i32
      %add3A_331 = arith.constant 256 : i32
      %add3A_332 = arith.addi %add3A_331, %mul3A_330 : i32
      %get3A = arith.index_cast %add3A_332 : i32 to index
      %get3A_333 = tpu.vector_load %arg11[%get3A] {strides = array<i32>} : memref<512xf32, #tpu.memory_space<vmem>>, vector<16xf32>,
      %get3A_334 = vector.shape_cast %get3A_333 : vector<16xf32> to vector<16xf32>
      %get3A_335 = arith.index_cast %add3A_332 : i32 to index
      %get3A_336 = tpu.vector_load %arg10[%get3A_335] {strides = array<i32>} : memref<512xf32, #tpu.memory_space<vmem>>, vector<16xf32>,
      %get3A_337 = vector.shape_cast %get3A_336 : vector<16xf32> to vector<16xf32>
      %get3A_338 = arith.index_cast %add3A_332 : i32 to index
      %get3A_339 = tpu.vector_load %arg12[%get3A_338] {strides = array<i32>} : memref<512xf32, #tpu.memory_space<vmem>>, vector<16xf32>,
      %get3A_340 = vector.shape_cast %get3A_339 : vector<16xf32> to vector<16xf32>
      %sub3A = arith.subf %get3A_337, %get3A_340 : vector<16xf32>
      %mul3A_341 = arith.mulf %get3A_334, %sub3A : vector<16xf32>
      %neg3A = arith.constant 0.000000e+00 : f32
      %neg3A_342 = vector.broadcast %neg3A : f32 to vector<16xf32>
      %neg3A_343 = arith.subf %neg3A_342, %mul3A_341 : vector<16xf32>
      %exp3A = math.exp %neg3A_343 : vector<16xf32>
      %add3A_344 = arith.constant 1.000000e+00 : f32
      %add3A_345 = vector.broadcast %add3A_344 : f32 to vector<16xf32>
      %add3A_346 = arith.addf %add3A_345, %exp3A : vector<16xf32>
      %div3A = arith.constant 1.000000e+00 : f32
      %div3A_347 = vector.broadcast %div3A : f32 to vector<16xf32>
      %div3A_348 = arith.divf %div3A_347, %add3A_346 : vector<16xf32>
      %swap3A = arith.index_cast %add3A_332 : i32 to index
      %swap3A_349 = tpu.vector_load %arg13[%swap3A] {strides = array<i32>} : memref<512xf32, #tpu.memory_space<vmem>>, vector<16xf32>,
      %swap3A_350 = vector.shape_cast %swap3A_349 : vector<16xf32> to vector<16xf32>
      %swap3A_351 = vector.shape_cast %div3A_348 : vector<16xf32> to vector<16xf32>
      tpu.vector_store %arg13[%swap3A], %swap3A_351 {strides = array<i32>} : memref<512xf32, #tpu.memory_space<vmem>>, vector<16xf32>,
    }
    %scan3A_251 = arith.constant 8 : i32
    %add3A_252 = arith.constant 256 : i32
    %add3A_253 = arith.addi %mul3A_2, %add3A_252 : i32
    %dma_start3A_254 = arith.constant 256 : i32
    %dma_start3A_255 = tpu.memref_slice %arg13[%dma_start3A_254] : memref<512xf32, #tpu.memory_space<vmem>> -> memref<128xf32, #tpu.memory_space<vmem>>
    %dma_start3A_256 = tpu.memref_slice %arg7[%add3A_253] : memref<16384xf32, #tpu.memory_space<hbm>> -> memref<128xf32, #tpu.memory_space<hbm>>
    %dma_start3A_257 = tpu.memref_slice %arg7[%add3A_253] : memref<16384xf32, #tpu.memory_space<hbm>> -> memref<128xf32, #tpu.memory_space<hbm>>
    %dma_start3A_258 = arith.constant 256 : i32
    %dma_start3A_259 = tpu.memref_slice %arg13[%dma_start3A_258] : memref<512xf32, #tpu.memory_space<vmem>> -> memref<128xf32, #tpu.memory_space<vmem>>
    tpu.enqueue_dma source(%dma_start3A_259 : memref<128xf32, #tpu.memory_space<vmem>>) target(%dma_start3A_257 : memref<128xf32, #tpu.memory_space<hbm>>) target_semaphore(%arg16 : memref<!tpu.dma_semaphore, #tpu.memory_space<semaphore_mem>>)
    %dma_wait3A_260 = arith.constant 0 : i32
    %dma_wait3A_261 = arith.constant 384 : i32
    %dma_wait3A_262 = tpu.memref_slice %arg10[%dma_wait3A_261] : memref<512xf32, #tpu.memory_space<vmem>> -> memref<128xf32, #tpu.memory_space<vmem>>
    %dma_wait3A_263 = arith.constant 384 : i32
    %dma_wait3A_264 = tpu.memref_slice %arg8[%dma_wait3A_263] : memref<512xi32, #tpu.memory_space<vmem>> -> memref<128xi32, #tpu.memory_space<vmem>>
    %dma_wait3A_265 = arith.constant 0 : i32
    %dma_wait3A_266 = tpu.memref_slice %arg4[%dma_wait3A_260, %dma_wait3A_265] : memref<1x1000000xf32, #tpu.memory_space<hbm>> -> memref<1x1000000xf32, #tpu.memory_space<hbm>>
    %dma_wait3A_267 = tpu.memref_squeeze %dma_wait3A_266 : memref<1x1000000xf32, #tpu.memory_space<hbm>> -> memref<1000000xf32, #tpu.memory_space<hbm>>
    %dma_wait3A_268 = arith.constant 0 : i32
    %dma_wait3A_269 = tpu.memref_slice %dma_wait3A_267[%dma_wait3A_268] : memref<1000000xf32, #tpu.memory_space<hbm>> -> memref<1000000xf32, #tpu.memory_space<hbm>>
    tpu.wait_indirect_dma semaphore(%arg20 : memref<!tpu.dma_semaphore, #tpu.memory_space<semaphore_mem>>) src(%dma_wait3A_269 : memref<1000000xf32, #tpu.memory_space<hbm>>) dst(%dma_wait3A_262 : memref<128xf32, #tpu.memory_space<vmem>>)
    %dma_wait3A_270 = arith.constant 0 : i32
    %dma_wait3A_271 = arith.constant 384 : i32
    %dma_wait3A_272 = tpu.memref_slice %arg11[%dma_wait3A_271] : memref<512xf32, #tpu.memory_space<vmem>> -> memref<128xf32, #tpu.memory_space<vmem>>
    %dma_wait3A_273 = arith.constant 384 : i32
    %dma_wait3A_274 = tpu.memref_slice %arg9[%dma_wait3A_273] : memref<512xi32, #tpu.memory_space<vmem>> -> memref<128xi32, #tpu.memory_space<vmem>>
    %dma_wait3A_275 = arith.constant 0 : i32
    %dma_wait3A_276 = tpu.memref_slice %arg5[%dma_wait3A_270, %dma_wait3A_275] : memref<1x100000xf32, #tpu.memory_space<hbm>> -> memref<1x100000xf32, #tpu.memory_space<hbm>>
    %dma_wait3A_277 = tpu.memref_squeeze %dma_wait3A_276 : memref<1x100000xf32, #tpu.memory_space<hbm>> -> memref<100000xf32, #tpu.memory_space<hbm>>
    %dma_wait3A_278 = arith.constant 0 : i32
    %dma_wait3A_279 = tpu.memref_slice %dma_wait3A_277[%dma_wait3A_278] : memref<100000xf32, #tpu.memory_space<hbm>> -> memref<100000xf32, #tpu.memory_space<hbm>>
    tpu.wait_indirect_dma semaphore(%arg20 : memref<!tpu.dma_semaphore, #tpu.memory_space<semaphore_mem>>) src(%dma_wait3A_279 : memref<100000xf32, #tpu.memory_space<hbm>>) dst(%dma_wait3A_272 : memref<128xf32, #tpu.memory_space<vmem>>)
    %dma_wait3A_280 = arith.constant 0 : i32
    %dma_wait3A_281 = arith.constant 384 : i32
    %dma_wait3A_282 = tpu.memref_slice %arg12[%dma_wait3A_281] : memref<512xf32, #tpu.memory_space<vmem>> -> memref<128xf32, #tpu.memory_space<vmem>>
    %dma_wait3A_283 = arith.constant 384 : i32
    %dma_wait3A_284 = tpu.memref_slice %arg9[%dma_wait3A_283] : memref<512xi32, #tpu.memory_space<vmem>> -> memref<128xi32, #tpu.memory_space<vmem>>
    %dma_wait3A_285 = arith.constant 0 : i32
    %dma_wait3A_286 = tpu.memref_slice %arg6[%dma_wait3A_280, %dma_wait3A_285] : memref<1x100000xf32, #tpu.memory_space<hbm>> -> memref<1x100000xf32, #tpu.memory_space<hbm>>
    %dma_wait3A_287 = tpu.memref_squeeze %dma_wait3A_286 : memref<1x100000xf32, #tpu.memory_space<hbm>> -> memref<100000xf32, #tpu.memory_space<hbm>>
    %dma_wait3A_288 = arith.constant 0 : i32
    %dma_wait3A_289 = tpu.memref_slice %dma_wait3A_287[%dma_wait3A_288] : memref<100000xf32, #tpu.memory_space<hbm>> -> memref<100000xf32, #tpu.memory_space<hbm>>
    tpu.wait_indirect_dma semaphore(%arg20 : memref<!tpu.dma_semaphore, #tpu.memory_space<semaphore_mem>>) src(%dma_wait3A_289 : memref<100000xf32, #tpu.memory_space<hbm>>) dst(%dma_wait3A_282 : memref<128xf32, #tpu.memory_space<vmem>>)
    %scan3A_290 = arith.constant 0 : i32
    %scan3A_291 = arith.constant 0 : i32
    %scan3A_292 = arith.constant 8 : i32
    %scan3A_293 = arith.addi %scan3A_291, %scan3A_292 : i32
    %scan3A_294 = arith.constant 1 : i32
    scf.for %scan3A_328 = %scan3A_291 to %scan3A_293 step %scan3A_294  : i32 {
      %mul3A_329 = arith.constant 16 : i32
      %mul3A_330 = arith.muli %scan3A_328, %mul3A_329 : i32
      %add3A_331 = arith.constant 384 : i32
      %add3A_332 = arith.addi %add3A_331, %mul3A_330 : i32
      %get3A = arith.index_cast %add3A_332 : i32 to index
      %get3A_333 = tpu.vector_load %arg11[%get3A] {strides = array<i32>} : memref<512xf32, #tpu.memory_space<vmem>>, vector<16xf32>,
      %get3A_334 = vector.shape_cast %get3A_333 : vector<16xf32> to vector<16xf32>
      %get3A_335 = arith.index_cast %add3A_332 : i32 to index
      %get3A_336 = tpu.vector_load %arg10[%get3A_335] {strides = array<i32>} : memref<512xf32, #tpu.memory_space<vmem>>, vector<16xf32>,
      %get3A_337 = vector.shape_cast %get3A_336 : vector<16xf32> to vector<16xf32>
      %get3A_338 = arith.index_cast %add3A_332 : i32 to index
      %get3A_339 = tpu.vector_load %arg12[%get3A_338] {strides = array<i32>} : memref<512xf32, #tpu.memory_space<vmem>>, vector<16xf32>,
      %get3A_340 = vector.shape_cast %get3A_339 : vector<16xf32> to vector<16xf32>
      %sub3A = arith.subf %get3A_337, %get3A_340 : vector<16xf32>
      %mul3A_341 = arith.mulf %get3A_334, %sub3A : vector<16xf32>
      %neg3A = arith.constant 0.000000e+00 : f32
      %neg3A_342 = vector.broadcast %neg3A : f32 to vector<16xf32>
      %neg3A_343 = arith.subf %neg3A_342, %mul3A_341 : vector<16xf32>
      %exp3A = math.exp %neg3A_343 : vector<16xf32>
      %add3A_344 = arith.constant 1.000000e+00 : f32
      %add3A_345 = vector.broadcast %add3A_344 : f32 to vector<16xf32>
      %add3A_346 = arith.addf %add3A_345, %exp3A : vector<16xf32>
      %div3A = arith.constant 1.000000e+00 : f32
      %div3A_347 = vector.broadcast %div3A : f32 to vector<16xf32>
      %div3A_348 = arith.divf %div3A_347, %add3A_346 : vector<16xf32>
      %swap3A = arith.index_cast %add3A_332 : i32 to index
      %swap3A_349 = tpu.vector_load %arg13[%swap3A] {strides = array<i32>} : memref<512xf32, #tpu.memory_space<vmem>>, vector<16xf32>,
      %swap3A_350 = vector.shape_cast %swap3A_349 : vector<16xf32> to vector<16xf32>
      %swap3A_351 = vector.shape_cast %div3A_348 : vector<16xf32> to vector<16xf32>
      tpu.vector_store %arg13[%swap3A], %swap3A_351 {strides = array<i32>} : memref<512xf32, #tpu.memory_space<vmem>>, vector<16xf32>,
    }
    %scan3A_295 = arith.constant 8 : i32
    %add3A_296 = arith.constant 384 : i32
    %add3A_297 = arith.addi %mul3A_2, %add3A_296 : i32
    %dma_start3A_298 = arith.constant 384 : i32
    %dma_start3A_299 = tpu.memref_slice %arg13[%dma_start3A_298] : memref<512xf32, #tpu.memory_space<vmem>> -> memref<128xf32, #tpu.memory_space<vmem>>
    %dma_start3A_300 = tpu.memref_slice %arg7[%add3A_297] : memref<16384xf32, #tpu.memory_space<hbm>> -> memref<128xf32, #tpu.memory_space<hbm>>
    %dma_start3A_301 = tpu.memref_slice %arg7[%add3A_297] : memref<16384xf32, #tpu.memory_space<hbm>> -> memref<128xf32, #tpu.memory_space<hbm>>
    %dma_start3A_302 = arith.constant 384 : i32
    %dma_start3A_303 = tpu.memref_slice %arg13[%dma_start3A_302] : memref<512xf32, #tpu.memory_space<vmem>> -> memref<128xf32, #tpu.memory_space<vmem>>
    tpu.enqueue_dma source(%dma_start3A_303 : memref<128xf32, #tpu.memory_space<vmem>>) target(%dma_start3A_301 : memref<128xf32, #tpu.memory_space<hbm>>) target_semaphore(%arg16 : memref<!tpu.dma_semaphore, #tpu.memory_space<semaphore_mem>>)
    %dma_wait3A_304 = arith.constant 0 : i32
    %dma_wait3A_305 = tpu.memref_slice %arg13[%dma_wait3A_304] : memref<512xf32, #tpu.memory_space<vmem>> -> memref<128xf32, #tpu.memory_space<vmem>>
    %dma_wait3A_306 = tpu.memref_slice %arg7[%add3A_165] : memref<16384xf32, #tpu.memory_space<hbm>> -> memref<128xf32, #tpu.memory_space<hbm>>
    %dma_wait3A_307 = tpu.memref_slice %arg7[%add3A_165] : memref<16384xf32, #tpu.memory_space<hbm>> -> memref<128xf32, #tpu.memory_space<hbm>>
    %dma_wait3A_308 = arith.constant 0 : i32
    %dma_wait3A_309 = tpu.memref_slice %arg13[%dma_wait3A_308] : memref<512xf32, #tpu.memory_space<vmem>> -> memref<128xf32, #tpu.memory_space<vmem>>
    tpu.wait_dma2 semaphore(%arg16 : memref<!tpu.dma_semaphore, #tpu.memory_space<semaphore_mem>>) src(%dma_wait3A_309 : memref<128xf32, #tpu.memory_space<vmem>>) dst(%dma_wait3A_307 : memref<128xf32, #tpu.memory_space<hbm>>)
    %dma_wait3A_310 = arith.constant 128 : i32
    %dma_wait3A_311 = tpu.memref_slice %arg13[%dma_wait3A_310] : memref<512xf32, #tpu.memory_space<vmem>> -> memref<128xf32, #tpu.memory_space<vmem>>
    %dma_wait3A_312 = tpu.memref_slice %arg7[%add3A_209] : memref<16384xf32, #tpu.memory_space<hbm>> -> memref<128xf32, #tpu.memory_space<hbm>>
    %dma_wait3A_313 = tpu.memref_slice %arg7[%add3A_209] : memref<16384xf32, #tpu.memory_space<hbm>> -> memref<128xf32, #tpu.memory_space<hbm>>
    %dma_wait3A_314 = arith.constant 128 : i32
    %dma_wait3A_315 = tpu.memref_slice %arg13[%dma_wait3A_314] : memref<512xf32, #tpu.memory_space<vmem>> -> memref<128xf32, #tpu.memory_space<vmem>>
    tpu.wait_dma2 semaphore(%arg16 : memref<!tpu.dma_semaphore, #tpu.memory_space<semaphore_mem>>) src(%dma_wait3A_315 : memref<128xf32, #tpu.memory_space<vmem>>) dst(%dma_wait3A_313 : memref<128xf32, #tpu.memory_space<hbm>>)
    %dma_wait3A_316 = arith.constant 256 : i32
    %dma_wait3A_317 = tpu.memref_slice %arg13[%dma_wait3A_316] : memref<512xf32, #tpu.memory_space<vmem>> -> memref<128xf32, #tpu.memory_space<vmem>>
    %dma_wait3A_318 = tpu.memref_slice %arg7[%add3A_253] : memref<16384xf32, #tpu.memory_space<hbm>> -> memref<128xf32, #tpu.memory_space<hbm>>
    %dma_wait3A_319 = tpu.memref_slice %arg7[%add3A_253] : memref<16384xf32, #tpu.memory_space<hbm>> -> memref<128xf32, #tpu.memory_space<hbm>>
    %dma_wait3A_320 = arith.constant 256 : i32
    %dma_wait3A_321 = tpu.memref_slice %arg13[%dma_wait3A_320] : memref<512xf32, #tpu.memory_space<vmem>> -> memref<128xf32, #tpu.memory_space<vmem>>
    tpu.wait_dma2 semaphore(%arg16 : memref<!tpu.dma_semaphore, #tpu.memory_space<semaphore_mem>>) src(%dma_wait3A_321 : memref<128xf32, #tpu.memory_space<vmem>>) dst(%dma_wait3A_319 : memref<128xf32, #tpu.memory_space<hbm>>)
    %dma_wait3A_322 = arith.constant 384 : i32
    %dma_wait3A_323 = tpu.memref_slice %arg13[%dma_wait3A_322] : memref<512xf32, #tpu.memory_space<vmem>> -> memref<128xf32, #tpu.memory_space<vmem>>
    %dma_wait3A_324 = tpu.memref_slice %arg7[%add3A_297] : memref<16384xf32, #tpu.memory_space<hbm>> -> memref<128xf32, #tpu.memory_space<hbm>>
    %dma_wait3A_325 = tpu.memref_slice %arg7[%add3A_297] : memref<16384xf32, #tpu.memory_space<hbm>> -> memref<128xf32, #tpu.memory_space<hbm>>
    %dma_wait3A_326 = arith.constant 384 : i32
    %dma_wait3A_327 = tpu.memref_slice %arg13[%dma_wait3A_326] : memref<512xf32, #tpu.memory_space<vmem>> -> memref<128xf32, #tpu.memory_space<vmem>>
    tpu.wait_dma2 semaphore(%arg16 : memref<!tpu.dma_semaphore, #tpu.memory_space<semaphore_mem>>) src(%dma_wait3A_327 : memref<128xf32, #tpu.memory_space<vmem>>) dst(%dma_wait3A_325 : memref<128xf32, #tpu.memory_space<hbm>>)
    return
  }
}

module attributes {stable_mosaic.version = 14 : i64} {
  func.func @_loss_body(%arg0: memref<128x128xf32, #tpu.memory_space<vmem>>, %arg1: memref<128x128xf32, #tpu.memory_space<vmem>>, %arg2: memref<f32, #tpu.memory_space<smem>>) attributes {dimension_semantics = [], scalar_prefetch = 0 : i64, scratch_operands = 0 : i64, tpu.core_type = #tpu.core_type<tc>} {
    %get3A = arith.constant 0 : index
    %get3A_0 = arith.constant 0 : index
    %get3A_1 = vector.load %arg0[%get3A, %get3A_0] : memref<128x128xf32, #tpu.memory_space<vmem>>, vector<128x128xf32>
    %get3A_2 = arith.constant 0 : index
    %get3A_3 = arith.constant 0 : index
    %get3A_4 = vector.load %arg1[%get3A_2, %get3A_3] : memref<128x128xf32, #tpu.memory_space<vmem>>, vector<128x128xf32>
    %log3A = math.log %get3A_1 : vector<128x128xf32>
    %max3A = arith.constant -1.000000e+02 : f32
    %max3A_5 = vector.broadcast %max3A : f32 to vector<128x128xf32>
    %max3A_6 = arith.maximumf %log3A, %max3A_5 : vector<128x128xf32>
    %sub3A = arith.constant 1.000000e+00 : f32
    %sub3A_7 = vector.broadcast %sub3A : f32 to vector<128x128xf32>
    %sub3A_8 = arith.subf %sub3A_7, %get3A_1 : vector<128x128xf32>
    %log3A_9 = math.log %sub3A_8 : vector<128x128xf32>
    %max3A_10 = arith.constant -1.000000e+02 : f32
    %max3A_11 = vector.broadcast %max3A_10 : f32 to vector<128x128xf32>
    %max3A_12 = arith.maximumf %log3A_9, %max3A_11 : vector<128x128xf32>
    %mul3A = arith.mulf %get3A_4, %max3A_6 : vector<128x128xf32>
    %sub3A_13 = arith.constant 1.000000e+00 : f32
    %sub3A_14 = vector.broadcast %sub3A_13 : f32 to vector<128x128xf32>
    %sub3A_15 = arith.subf %sub3A_14, %get3A_4 : vector<128x128xf32>
    %mul3A_16 = arith.mulf %sub3A_15, %max3A_12 : vector<128x128xf32>
    %add3A = arith.addf %mul3A, %mul3A_16 : vector<128x128xf32>
    %reduce_sum3A = vector.shape_cast %add3A : vector<128x128xf32> to vector<1x128x128xf32>
    %reduce_sum3A_17 = arith.constant dense<0.000000e+00> : vector<1xf32>
    %reduce_sum3A_18 = vector.multi_reduction <add>, %reduce_sum3A, %reduce_sum3A_17 [1, 2] : vector<1x128x128xf32> to vector<1xf32>
    %reduce_sum3A_19 = vector.shape_cast %reduce_sum3A_18 : vector<1xf32> to vector<1x1x1xf32>
    %reduce_sum3A_20 = vector.extract %reduce_sum3A_19[0, 0, 0] : f32 from vector<1x1x1xf32>
    %neg3A = arith.constant 0.000000e+00 : f32
    %neg3A_21 = arith.subf %neg3A, %reduce_sum3A_20 : f32
    %mul3A_22 = arith.constant 6.10351563E-5 : f32
    %mul3A_23 = arith.mulf %neg3A_21, %mul3A_22 : f32
    %swap3A = memref.load %arg2[] : memref<f32, #tpu.memory_space<smem>>
    memref.store %mul3A_23, %arg2[] : memref<f32, #tpu.memory_space<smem>>
    return
  }
}

</mosaic_0001>

<sc_bundles>
// kernel: kernel.4.cloned.1.call-start
scs
__scs_entry_jumppad:
0x0: {  	(pc) =	sbr.rel $0x88, $3  }
0x1: {  	(tag) =	ssettag $0x0;
	lr =	simm.s32 $0x1  }
0x2: {  	[smem:$0x3F9B] =	sst lr;
	_ =	strace $0xD0000000  }
0x3: {  	_ = 	snop  }
0x4: {  	_ = 	snop  }
0x5: {  	_ = 	snop  }
0x6: {  	_ = 	snop  }
0x7: {  	_ = 	snop  }
__scs_overlays_trampoline_lowered:
0x8: {  	[smem:$0x3FAA] =	sst s0  }
0x9: {  	[smem:$0x3FAB] =	sst s1  }
0xa: {  	[smem:$0x3FAC] =	sst s2  }
0xb: {  	[smem:$0x3FAD] =	sst s3  }
0xc: {  	[smem:$0x3FAE] =	sst s4  }
0xd: {  	[smem:$0x3FAF] =	sst s5  }
0xe: {  	[smem:$0x3FB0] =	sst s6  }
0xf: {  	[smem:$0x3FB1] =	sst s7  }
0x10: {  	[smem:$0x3FB2] =	sst s8  }
0x11: {  	[smem:$0x3FB3] =	sst s9;
	s0 =	simm.s32 @!p0 $0x0  }
0x12: {  	s1 =	sld [smem:$0x3F99];
	s0 =	simm.s32 @p0 $0x1  }
0x13: {  	[smem:$0x3FB4] =	sst s0;
	s0 =	simm.s32 @!p1 $0x0  }
0x14: {  	s2 =	sld [smem:$0x3F98];
	s0 =	simm.s32 @p1 $0x1  }
0x15: {  	[smem:$0x3FB5] =	sst s0;
	s0 =	simm.s32 @!p2 $0x0  }
0x16: {  	s3 =	sld [smem:$0x3FDB];
	s0 =	simm.s32 @p2 $0x1  }
0x17: {  	s4 =	simm.s32 $0x1BF5;
	[smem:$0x3FB7] =	sst s0  }
0x18: {  	s0 =	sld [smem:$0x3F9A];
	_ =	swait.ge [sflag:s4], $0x0  }
0x19: {  	s7 =	sld [smem:$0x3F9B]  }
0x1a: {  	s8 =	sadd.s32 $0xFFFFE003, lr  }
0x1b: {  	s9 =	sadd.s32 $0xFFFFFEF7, lr;
	s5 =	simm.s32 $0xFFFFFFFF;
	p2 =	slt.u32 s8, $0xFFFFF086  }
0x1c: {  	p1 =	slt.u32 s9, $0xF7A;
	s5 =	simm.s32 @!p2 $0x0  }
0x1d: {  	s5 =	simm.s32 @p1 $0x1;
	p0 =	seq.s32 s7, s2  }
0x1e: {  	s7 =	smul.u32 @!p0 $0xF7A, s2;
	p2 =	seq.s32 @!p0 s5, $0x0  }
0x1f: {  	s9 =	smul.u32 $0xF7A, s1;
	s8 =	simm.s32 @!p0 $0x1BF5;
	p2 =	por !p2, p0  }
0x20: {  	[sflag:s8] =	ssyncset.s32 @!p0 $0xFFFFF086;
	s6 =	sadd.s32 @!p0 s3, s7;
	s7 =	simm.s32 @!p0 $0x108  }
0x21: {  	s3 =	sadd.s32 s3, s9;
	s6 =	sadd.s32 @!p0 $0x88, s6;
	s7 =	simm.s32 @p2 $0x1082  }
0x22: {  	[simem:s7], [sflag:s8] =	dma.local @!p0 [hbm:s6], $0xF7A  }
0x23: {  	s9 =	sor.u32 $0xD0000000, s2;
	s6 =	simm.s32 $0x108;
	_ =	swait.ge @!p0 [sflag:s8], $0x0  }
0x24: {  	s3 =	sadd.s32 $0x88, s3;
	s6 =	simm.s32 @!p1 $0x1082;
	[sflag:s4] =	ssyncset.s32 $0xFFFFF086  }
0x25: {  	[simem:s6], [sflag:s4] =	dma.local [hbm:s3], $0xF7A  }
0x26: {  	[smem:$0x3F9B] =	sst s1;
	(tag) =	ssettag s2;
	_ =	strace s9  }
0x27: {  	s1 =	sld [smem:$0x3FAB]  }
0x28: {  	s2 =	sld [smem:$0x3FAC]  }
0x29: {  	s4 =	sld [smem:$0x3FAE]  }
0x2a: {  	p0 =	seq.s32 s5, $0x0;
	s5 =	sld [smem:$0x3FAF]  }
0x2b: {  	s6 =	sld [smem:$0x3FB0]  }
0x2c: {  	s7 =	sld [smem:$0x3FB1]  }
0x2d: {  	s3 =	simm.s32 $0x108;
	s8 =	sld [smem:$0x3FB2]  }
0x2e: {  	s3 =	simm.s32 @!p0 $0x1082;
	s9 =	sld [smem:$0x3FB3]  }
0x2f: {  	lr =	sadd.s32 s0, s3;
	s0 =	sld [smem:$0x3FAA]  }
0x30: {  	s3 =	sld [smem:$0x3FAD]  }
0x31: {  	[smem:$0x3FB6] =	sst s10  }
0x32: {  	s10 =	sld [smem:$0x3FB4];
	_ =	sdelay $0x3  }
0x33: {  	p0 =	seq.s32 s10, $0x1;
	s10 =	sld [smem:$0x3FB6];
	_ =	sdelay $0x3  }
0x34: {  	[smem:$0x3FB6] =	sst s10  }
0x35: {  	s10 =	sld [smem:$0x3FB5];
	_ =	sdelay $0x3  }
0x36: {  	p1 =	seq.s32 s10, $0x1;
	s10 =	sld [smem:$0x3FB6];
	_ =	sdelay $0x3  }
0x37: {  	[smem:$0x3FB6] =	sst s10  }
0x38: {  	s10 =	sld [smem:$0x3FB7]  }
0x39: {  	_ = 	snop;
	(pc) =	sbr.ind lr, $3  }
0x3a: {  	_ = 	snop  }
0x3b: {  	_ = 	snop  }
0x3c: {  	p2 =	seq.s32 s10, $0x1;
	s10 =	sld [smem:$0x3FB6]  }
0x3d: {  	_ =	shalt  }
0x3e: {  	_ =	shalt  }
0x3f: {  	_ =	shalt  }
0x40: {  	_ =	shalt  }
0x41: {  	_ =	shalt  }
0x42: {  	_ =	shalt  }
0x43: {  	_ =	shalt  }
0x44: {  	_ =	shalt  }
0x45: {  	_ =	shalt  }
0x46: {  	_ =	shalt  }
0x47: {  	_ =	shalt  }
0x48: {  	_ =	shalt  }
0x49: {  	_ =	shalt  }
0x4a: {  	_ =	shalt  }
0x4b: {  	_ =	shalt  }
0x4c: {  	_ =	shalt  }
0x4d: {  	_ =	shalt  }
0x4e: {  	_ =	shalt  }
0x4f: {  	_ =	shalt  }
0x50: {  	_ =	shalt  }
0x51: {  	_ =	shalt  }
0x52: {  	_ =	shalt  }
0x53: {  	_ =	shalt  }
0x54: {  	_ =	shalt  }
0x55: {  	_ =	shalt  }
0x56: {  	_ =	shalt  }
0x57: {  	_ =	shalt  }
0x58: {  	_ =	shalt  }
0x59: {  	_ =	shalt  }
0x5a: {  	_ =	shalt  }
0x5b: {  	_ =	shalt  }
0x5c: {  	_ =	shalt  }
0x5d: {  	_ =	shalt  }
0x5e: {  	_ =	shalt  }
0x5f: {  	_ =	shalt  }
0x60: {  	_ =	shalt  }
0x61: {  	_ =	shalt  }
0x62: {  	_ =	shalt  }
0x63: {  	_ =	shalt  }
0x64: {  	_ =	shalt  }
0x65: {  	_ =	shalt  }
0x66: {  	_ =	shalt  }
0x67: {  	_ =	shalt  }
0x68: {  	_ =	shalt  }
0x69: {  	_ =	shalt  }
0x6a: {  	_ =	shalt  }
0x6b: {  	_ =	shalt  }
0x6c: {  	_ =	shalt  }
0x6d: {  	_ =	shalt  }
0x6e: {  	_ =	shalt  }
0x6f: {  	_ =	shalt  }
0x70: {  	_ =	shalt  }
0x71: {  	_ =	shalt  }
0x72: {  	_ =	shalt  }
0x73: {  	_ =	shalt  }
0x74: {  	_ =	shalt  }
0x75: {  	_ =	shalt  }
0x76: {  	_ =	shalt  }
0x77: {  	_ =	shalt  }
0x78: {  	_ =	shalt  }
0x79: {  	_ =	shalt  }
0x7a: {  	_ =	shalt  }
0x7b: {  	_ =	shalt  }
0x7c: {  	_ =	shalt  }
0x7d: {  	_ =	shalt  }
0x7e: {  	_ =	shalt  }
0x7f: {  	_ =	shalt  }
0x80: {  	_ =	shalt  }
0x81: {  	_ =	shalt  }
0x82: {  	_ =	shalt  }
0x83: {  	_ =	shalt  }
0x84: {  	_ =	shalt  }
0x85: {  	_ =	shalt  }
0x86: {  	_ =	shalt  }
0x87: {  	_ =	shalt  }
.Lfunc_end0:
.L_simem_size_0:
called_computation_lowered:
.L_overlay_start_0:
0x88: {  	s2 =	sld [smem:$0x3FD9]  }
0x89: {  	s3 =	sld [smem:$0x3FFE];
	_ =	sdelay $0x1  }
0x8a: {  	s1 =	srdreg.scid  }
0x8b: {  	s0 =	sand.u32 $0x1, s1  }
0x8c: {  	s15 =	sshll.u32 s0, $0xA;
	s2 =	sadd.s32 s3, s2  }
0x8d: {  	s2 =	sadd.s32 s2, s15  }
0x8e: {  	[smem:$0x3FC2] =	sst s2  }
0x8f: {  	_ = 	snop  }
0x90: {  	s2 =	sld [smem:$0x3FC9]  }
0x91: {  	s16 =	sld [smem:$0x3FC8]  }
0x92: {  	s4 =	sld [smem:$0x3FD0]  }
0x93: {  	s5 =	sld [smem:$0x3FC6]  }
0x94: {  	s6 =	sld [smem:$0x3FC5]  }
0x95: {  	s8 =	simm.s32 $0xA;
	s9 =	simm.s32 $0x10;
	s7 =	sld [smem:$0x3FC4]  }
0x96: {  	[smem:s9], [sflag:s8] =	dma.local [hbm:s4], $0x1  }
0x97: {  	_ =	swait.eq [sflag:s8], $0x1  }
0x98: {  	[sflag:s8] =	ssyncset.done $0x0  }
0x99: {  	[sflag:s8] =	ssyncadd.s32 $0xFFFFFFFF  }
0x9a: {  	s17 =	sld [smem:$0x10];
	(tm) =	ssettm $0x1  }
0x9b: {  	s18 =	sld [smem:$0x3FFB];
	_ =	sdelay $0x3  }
0x9c: {  	_ =	strace s18  }
0x9d: {  	s8 =	sld [smem:$0x3FFC];
	_ =	sdelay $0x3  }
0x9e: {  	_ =	strace s8  }
0x9f: {  	s8 =	sld [smem:$0x3FFD];
	_ =	sdelay $0x3  }
0xa0: {  	_ =	strace s8  }
0xa1: {  	_ =	strace $0x8FFFFFFF  }
0xa2: {  	s19 =	sld [smem:$0x3FDB];
	_ =	sdelay $0x1  }
0xa3: {  	s20 =	simm.s32 $_scs_section_size  }
0xa4: {  	s10 =	simm.s32 $_size__tile_overlayer_lowered;
	s11 =	simm.s32 $_tile_overlayer_lowered  }
0xa5: {  	s23 =	simm.s32 $0x1BFF;
	s22 =	sshll.u32 s11, $0x1;
	s8 =	sadd.s32 s20, s19  }
0xa6: {  	s12 =	simm.s32 $0x0;
	s21 =	sshll.u32 s10, $0x1;
	s10 =	sadd.s32 s22, s8  }
0xa7: {  	[timem:s12], [sflag:s23] =	dma.local [hbm:s10], s21  }
0xa8: {  	_ =	swait.ge [sflag:s23], s21  }
0xa9: {  	s9 =	ssub.s32 $0x0, s21;
	[sflag:s23] =	ssyncset.done $0x0  }
0xaa: {  	[sflag:s23] =	ssyncadd.s32 s9;
	_ =	sdelay $0x1  }
0xab: {  	s24 =	simm.s32 $0x1B8B  }
0xac: {  	_ =	swait.ge [sflag:s24], $0x1  }
0xad: {  	[sflag:s24] =	ssyncset.done $0x0  }
0xae: {  	s25 =	simm.s32 $0x1B8E;
	[sflag:s24] =	ssyncadd.s32 $0xFFFFFFFF  }
0xaf: {  	s26 =	simm.s32 $execute0_lowered;
	[smem:$0x3FD2] =	sst s25  }
0xb0: {  	s9 =	sshll.u32 s26, $0x1;
	_ =	strace $0x80000046;
	[dreg:$0x1] =	wrdreg $0xFFFFFFFF  }
0xb1: {  	s28 =	simm.s32 $_size_execute0_lowered;
	s8 =	sadd.s32 s8, s9;
	[dreg:$0x0] =	wrdreg $0x0  }
0xb2: {  	s9 =	sshll.u32 s28, $0x1;
	[dreg:$0x2] =	wrdreg s8  }
0xb3: {  	[dreg:$0x3] =	wrdreg s9  }
0xb4: {  	[dreg:$0x4] =	wrdreg $0xC0  }
0xb5: {  	_ =	task [dreg:s12], $0x5FFFF  }
0xb6: {  	[dreg:$0x1] =	wrdreg $0xFFFFFFFF  }
0xb7: {  	[dreg:$0x0] =	wrdreg $0x60  }
0xb8: {  	[dreg:$0x2] =	wrdreg s2  }
0xb9: {  	[dreg:$0x3] =	wrdreg s16  }
0xba: {  	[dreg:$0x4] =	wrdreg s5  }
0xbb: {  	[dreg:$0x5] =	wrdreg s6  }
0xbc: {  	[dreg:$0x6] =	wrdreg s7  }
0xbd: {  	[dreg:$0x7] =	wrdreg s17  }
0xbe: {  	[dreg:$0x8] =	wrdreg $0x9  }
0xbf: {  	_ =	task.clear_ibuf [dreg:s12], $0x9FFFF;
	_ =	strace $0x90000046  }
0xc0: {  	s29 =	simm.s32 $0x9;
	_ =	strace $0x80000048  }
0xc1: {  	_ =	swait.ge [sflag:s29], $0x1  }
0xc2: {  	[sflag:s29] =	ssyncadd.s32 $0xFFFFFFFF  }
0xc3: {  	_ =	strace $0x90000048  }
0xc4: {  	_ =	sfence  }
0xc5: {  	s30 =	sld [smem:$0x0];
	_ =	sdelay $0x2  }
0xc6: {  	s31 =	sshll.u32 s1, $0xD;
	s1 =	sshrl.u32 s1, $0x2  }
0xc7: {  	s3 =	sand.u32 $0x4000, s31;
	s1 =	sadd.s32 s1, s30  }
0xc8: {  	s0 =	sor.u32 s3, s0;
	s1 =	sshll.u32 s1, $0x11  }
0xc9: {  	s0 =	sor.u32 s1, s0  }
0xca: {  	s0 =	sadd.s32 $0x8F2B, s0  }
0xcb: {  	[sflag:s0] =	ssyncadd.remote.s32 $0x1  }
0xcc: {  	_ =	sfence.sel $0xFFFF  }
0xcd: {  	[dreg:$0x0] =	wrdreg $0xFFFFFFFF;
	(pc) =	sbr.abs _section_cstart, $3  }
0xce: {  	[dreg:$0x1] =	wrdreg $0xFFFFFFFF  }
0xcf: {  	_ =	task.clear_ibuf [dreg:s12], $0x2FFFF;
	_ =	strace $0x9FFFFFFF  }
0xd0: {  	(tm) =	ssettm $0x7FFFFFFF  }
0xd1: {  	_ =	shalt  }
tec
execute0_lowered:
.L_overlay_start_1:
0x0: {  	(tag) =	ssettag $0x1  }
0x1: {  	s0 =	rddreg [dreg:$0x0]  }
0x2: {  	s6 =	rddreg [dreg:$0x1]  }
0x3: {  	s1 =	rddreg [dreg:$0x2]  }
0x4: {  	s2 =	rddreg [dreg:$0x3]  }
0x5: {  	s4 =	rddreg [dreg:$0x4]  }
0x6: {  	s7 =	rddreg [dreg:$0x5]  }
0x7: {  	s5 =	srdreg.scid;
	s3 =	stileid.u32;
	s20 =	simm.s32 $0x400  }
0x8: {  	s22 =	simm.s32 $0x480;
	s23 =	simm.s32 $0x100;
	s24 =	simm.s32 $0x500  }
0x9: {  	s25 =	simm.s32 $0x180;
	s8 =	sand.u32 $0x1, s5;
	s5 =	simm.s32 $0x0  }
0xa: {  	s26 =	simm.s32 $0x580;
	s11 =	simm.s32 $0x2;
	[smem:$0x7FF] =	sst s5  }
0xb: {  	s14 =	simm.s32 $0x280;
	_ =	strace $0x80000047;
	[dreg:$0xc] =	wrdreg s20  }
0xc: {  	s28 =	simm.s32 $0x6;
	s29 =	simm.s32 $0xB00;
	[dreg:$0xd] =	wrdreg s22  }
0xd: {  	s30 =	simm.s32 $0x7;
	s31 =	simm.s32 $0xB80;
	[dreg:$0xe] =	wrdreg s23  }
0xe: {  	s9 =	sshll.u32 s3, $0x7;
	s10 =	sshll.u32 s8, $0x6;
	[dreg:$0xf] =	wrdreg s24  }
0xf: {  	s21 =	ssub.s32 $0x2, s8;
	s9 =	sor.u32 s10, s9;
	[dreg:$0x10] =	wrdreg s25  }
0x10: {  	s8 =	sshrl.u32 s21, $0x1;
	s10 =	simm.s32 $0x80;
	[dreg:$0x11] =	wrdreg s26  }
0x11: {  	s20 =	simm.s32 $0x380;
	s22 =	simm.s32 $0x980;
	s23 =	simm.s32 $0x4  }
0x12: {  	s24 =	simm.s32 $0xA00;
	s25 =	simm.s32 $0x5;
	s26 =	simm.s32 $0xA80  }
0x13: {  	s0 =	sadd.s32 s0, s9;
	s16 =	sadd.s32 s6, s9;
	s6 =	sadd.s32 s7, s9  }
0x14: {  	s7 =	ssub.s32 s21, s8;
	s8 =	simm.s32 $0x200;
	[dreg:$0x7] =	wrdreg s0  }
0x15: {  	s9 =	simm.s32 $0x1;
	[dreg:$0x8] =	wrdreg s16;
	s17 =	sadd.s32 $0x10, s6  }
0x16: {  	s21 =	simm.s32 $0x780;
	s18 =	sadd.s32 $0x20, s6;
	[dreg:$0x9] =	wrdreg s17  }
0x17: {  	s19 =	sadd.s32 $0x30, s6;
	s7 =	smax.u32 s7, $0x1;
	[dreg:$0xa] =	wrdreg s18  }
0x18: {  	s16 =	simm.s32 $0x880;
	s0 =	simm.s32 $0x3;
	[dreg:$0xb] =	wrdreg s19  }
0x19: {  	s17 =	simm.s32 $0x300;
	s18 =	simm.s32 $0x700;
	s19 =	simm.s32 $0x900  }
.LBB2_1:
0x1a: {  	s3 =	rddreg [dreg:$0x7]  }
0x1b: {  	[tilespmem:s5], [sflag:$0x1] =	stream.linear.gather [hbm4b:s3+s5], $0x200, $0x38;
	[tilespmem:$0xC00] =	vst v63  }
0x1c: {  	s12 =	rddreg [dreg:$0x8]  }
0x1d: {  	[tilespmem:s8], [sflag:$0x2] =	stream.linear.gather [hbm4b:s12+s5], $0x200, $0x38;
	[tilespmem:$0xC00] =	vst v63  }
0x1e: {  	_ =	swait.ge [sflag:s9], $0x200  }
0x1f: {  	s13 =	rddreg [dreg:$0xc]  }
0x20: {  	[sflag:s9] =	ssyncset.done $0x0;
	s15 =	rddreg [dreg:$0xd]  }
0x21: {  	s3 =	rddreg [dreg:$0xe];
	[sflag:s9] =	ssyncadd.s32 $0xFFFFFE00  }
0x22: {  	[tilespmem:s13], [sflag:$0x4] =	stream.indirect.gather [hbm4b:s1+s10], $0x1, s5, s10, $0xb8;
	[tilespmem:$0xC00] =	vst v63  }
0x23: {  	s12 =	rddreg [dreg:$0xf]  }
0x24: {  	[tilespmem:s15], [sflag:$0x5] =	stream.indirect.gather [hbm4b:s1+s10], $0x1, s10, s10, $0xb8;
	[tilespmem:$0xC00] =	vst v63  }
0x25: {  	s13 =	rddreg [dreg:$0x10]  }
0x26: {  	[tilespmem:s12], [sflag:$0x6] =	stream.indirect.gather [hbm4b:s1+s10], $0x1, s3, s10, $0xb8;
	[tilespmem:$0xC00] =	vst v63  }
0x27: {  	s15 =	rddreg [dreg:$0x11]  }
0x28: {  	[tilespmem:s15], [sflag:$0x7] =	stream.indirect.gather [hbm4b:s1+s10], $0x1, s13, s10, $0xb8;
	[tilespmem:$0xC00] =	vst v63  }
0x29: {  	_ =	swait.ge [sflag:s11], $0x200  }
0x2a: {  	[sflag:s11] =	ssyncset.done $0x0  }
0x2b: {  	s12 =	simm.s32 $0x600;
	[sflag:s11] =	ssyncadd.s32 $0xFFFFFE00  }
0x2c: {  	[tilespmem:s12], [sflag:$0x4] =	stream.indirect.gather [hbm4b:s2+s10], $0x1, s8, s10, $0xb8;
	[tilespmem:$0xC00] =	vst v63  }
0x2d: {  	s13 =	simm.s32 $0x800  }
0x2e: {  	[tilespmem:s13], [sflag:$0x4] =	stream.indirect.gather [hbm4b:s4+s10], $0x1, s8, s10, $0xb8;
	[tilespmem:$0xC00] =	vst v63  }
0x2f: {  	s15 =	simm.s32 $0x680  }
0x30: {  	[tilespmem:s15], [sflag:$0x5] =	stream.indirect.gather [hbm4b:s2+s10], $0x1, s14, s10, $0xb8;
	[tilespmem:$0xC00] =	vst v63  }
0x31: {  	_ = 	snop  }
0x32: {  	[tilespmem:s16], [sflag:$0x5] =	stream.indirect.gather [hbm4b:s4+s10], $0x1, s14, s10, $0xb8;
	[tilespmem:$0xC00] =	vst v63  }
0x33: {  	_ = 	snop  }
0x34: {  	[tilespmem:s18], [sflag:$0x6] =	stream.indirect.gather [hbm4b:s2+s10], $0x1, s17, s10, $0xb8;
	[tilespmem:$0xC00] =	vst v63  }
0x35: {  	_ = 	snop  }
0x36: {  	[tilespmem:s19], [sflag:$0x6] =	stream.indirect.gather [hbm4b:s4+s10], $0x1, s17, s10, $0xb8;
	[tilespmem:$0xC00] =	vst v63  }
0x37: {  	_ = 	snop  }
0x38: {  	[tilespmem:s21], [sflag:$0x7] =	stream.indirect.gather [hbm4b:s2+s10], $0x1, s20, s10, $0xb8;
	[tilespmem:$0xC00] =	vst v63  }
0x39: {  	_ = 	snop  }
0x3a: {  	[tilespmem:s22], [sflag:$0x7] =	stream.indirect.gather [hbm4b:s4+s10], $0x1, s20, s10, $0xb8;
	[tilespmem:$0xC00] =	vst v63  }
0x3b: {  	_ =	swait.ge [sflag:s23], $0x80  }
0x3c: {  	[sflag:s23] =	ssyncset.done $0x0  }
0x3d: {  	[sflag:s23] =	ssyncadd.s32 $0xFFFFFF80  }
0x3e: {  	_ =	swait.ge [sflag:s23], $0x80  }
0x3f: {  	[sflag:s23] =	ssyncset.done $0x0  }
0x40: {  	[sflag:s23] =	ssyncadd.s32 $0xFFFFFF80  }
0x41: {  	_ =	swait.ge [sflag:s23], $0x80  }
0x42: {  	[sflag:s23] =	ssyncset.done $0x0  }
0x43: {  	[sflag:s23] =	ssyncadd.s32 $0xFFFFFF80  }
0x44: {  	v0 =	vld [tilespmem:$0x400]  }
0x45: {  	v1 =	vld [tilespmem:$0x800];
	_ =	sdelay $0x1  }
0x46: {  	v2 =	vld [tilespmem:$0x600];
	_ =	sdelay $0x2  }
0x47: {  	v0 =	vsub.f32 v0, v1;
	_ =	sdelay $0x1  }
0x48: {  	v0 =	vmul.f32 v0, v2;
	_ =	sdelay $0x1  }
0x49: {  	v0 =	vsub.f32 $0.0e+00, v0;
	_ =	sdelay $0x1  }
0x4a: {  	v0 =	vmul.f32 $1.442695020e+00, v0  }
0x4b: {  	v28 =	vld [tilespmem:$0x410]  }
0x4c: {  	v29 =	vld [tilespmem:$0x810];
	(erf) = vpow2.f32 v0;
	_ =	sdelay $0x1  }
0x4d: {  	v30 =	vld [tilespmem:$0x610];
	_ =	sdelay $0x2  }
0x4e: {  	v0 =	vsub.f32 v28, v29;
	_ =	sdelay $0x1  }
0x4f: {  	v0 =	vmul.f32 v0, v30;
	_ =	sdelay $0x1  }
0x50: {  	v0 =	vsub.f32 $0.0e+00, v0;
	v31 =	vpop (erf)  }
0x51: {  	v1 =	vadd.f32 $1.000000000e+00, v31  }
0x52: {  	v0 =	vmul.f32 $1.442695020e+00, v0  }
0x53: {  	v32 =	vld [tilespmem:$0x420];
	(erf) = vrcp.f32 v1  }
0x54: {  	v33 =	vld [tilespmem:$0x820];
	(erf) = vpow2.f32 v0;
	_ =	sdelay $0x1  }
0x55: {  	v34 =	vld [tilespmem:$0x620];
	_ =	sdelay $0x2  }
0x56: {  	v0 =	vsub.f32 v32, v33;
	_ =	sdelay $0x1  }
0x57: {  	v0 =	vmul.f32 v0, v34  }
0x58: {  	v35 =	vpop (erf)  }
0x59: {  	v0 =	vsub.f32 $0.0e+00, v0;
	v36 =	vpop (erf)  }
0x5a: {  	v2 =	vadd.f32 $1.000000000e+00, v36  }
0x5b: {  	v0 =	vmul.f32 $1.442695020e+00, v0  }
0x5c: {  	v37 =	vld [tilespmem:$0x430];
	(erf) = vrcp.f32 v2  }
0x5d: {  	v38 =	vld [tilespmem:$0x830];
	(erf) = vpow2.f32 v0;
	_ =	sdelay $0x1  }
0x5e: {  	v3 =	vld [tilespmem:$0x630];
	_ =	sdelay $0x2  }
0x5f: {  	v0 =	vsub.f32 v37, v38;
	_ =	sdelay $0x1  }
0x60: {  	v0 =	vmul.f32 v0, v3  }
0x61: {  	v39 =	vpop (erf)  }
0x62: {  	v0 =	vsub.f32 $0.0e+00, v0;
	v40 =	vpop (erf)  }
0x63: {  	v3 =	vadd.f32 $1.000000000e+00, v40  }
0x64: {  	v0 =	vmul.f32 $1.442695020e+00, v0  }
0x65: {  	v41 =	vld [tilespmem:$0x440];
	(erf) = vrcp.f32 v3  }
0x66: {  	v42 =	vld [tilespmem:$0x840];
	(erf) = vpow2.f32 v0;
	_ =	sdelay $0x1  }
0x67: {  	v4 =	vld [tilespmem:$0x640];
	_ =	sdelay $0x2  }
0x68: {  	v0 =	vsub.f32 v41, v42;
	_ =	sdelay $0x1  }
0x69: {  	v0 =	vmul.f32 v0, v4  }
0x6a: {  	v43 =	vpop (erf)  }
0x6b: {  	v0 =	vsub.f32 $0.0e+00, v0;
	v44 =	vpop (erf)  }
0x6c: {  	v4 =	vadd.f32 $1.000000000e+00, v44  }
0x6d: {  	v0 =	vmul.f32 $1.442695020e+00, v0  }
0x6e: {  	v45 =	vld [tilespmem:$0x450];
	(erf) = vrcp.f32 v4  }
0x6f: {  	v46 =	vld [tilespmem:$0x850];
	(erf) = vpow2.f32 v0;
	_ =	sdelay $0x1  }
0x70: {  	v5 =	vld [tilespmem:$0x650];
	_ =	sdelay $0x2  }
0x71: {  	v0 =	vsub.f32 v45, v46;
	_ =	sdelay $0x1  }
0x72: {  	v0 =	vmul.f32 v0, v5  }
0x73: {  	v47 =	vpop (erf)  }
0x74: {  	v0 =	vsub.f32 $0.0e+00, v0;
	v48 =	vpop (erf)  }
0x75: {  	v5 =	vadd.f32 $1.000000000e+00, v48  }
0x76: {  	v0 =	vmul.f32 $1.442695020e+00, v0  }
0x77: {  	v49 =	vld [tilespmem:$0x460];
	(erf) = vrcp.f32 v5  }
0x78: {  	v50 =	vld [tilespmem:$0x860];
	(erf) = vpow2.f32 v0;
	_ =	sdelay $0x1  }
0x79: {  	v6 =	vld [tilespmem:$0x660];
	_ =	sdelay $0x2  }
0x7a: {  	v0 =	vsub.f32 v49, v50;
	_ =	sdelay $0x1  }
0x7b: {  	v0 =	vmul.f32 v0, v6  }
0x7c: {  	v51 =	vpop (erf)  }
0x7d: {  	v0 =	vsub.f32 $0.0e+00, v0;
	v52 =	vpop (erf)  }
0x7e: {  	v6 =	vadd.f32 $1.000000000e+00, v52  }
0x7f: {  	v0 =	vmul.f32 $1.442695020e+00, v0  }
0x80: {  	v53 =	vld [tilespmem:$0x470];
	(erf) = vrcp.f32 v6  }
0x81: {  	v54 =	vld [tilespmem:$0x870];
	(erf) = vpow2.f32 v0;
	_ =	sdelay $0x1  }
0x82: {  	v7 =	vld [tilespmem:$0x670];
	_ =	sdelay $0x2  }
0x83: {  	v0 =	vsub.f32 v53, v54;
	_ =	sdelay $0x1  }
0x84: {  	v0 =	vmul.f32 v0, v7  }
0x85: {  	v55 =	vpop (erf)  }
0x86: {  	v0 =	vsub.f32 $0.0e+00, v0;
	v56 =	vpop (erf)  }
0x87: {  	v7 =	vadd.f32 $1.000000000e+00, v56  }
0x88: {  	v0 =	vmul.f32 $1.442695020e+00, v0  }
0x89: {  	(erf) = vrcp.f32 v7  }
0x8a: {  	(erf) = vpow2.f32 v0;
	_ =	sdelay $0x7  }
0x8b: {  	v57 =	vpop (erf)  }
0x8c: {  	v58 =	vpop (erf)  }
0x8d: {  	v7 =	vadd.f32 $1.000000000e+00, v58;
	_ =	sdelay $0x1  }
0x8e: {  	(erf) = vrcp.f32 v7;
	_ =	sdelay $0x2  }
0x8f: {  	[tilespmem:$0xA00] =	vst v35  }
0x90: {  	[tilespmem:$0xA10] =	vst v39  }
0x91: {  	[tilespmem:$0xA20] =	vst v43  }
0x92: {  	[tilespmem:$0xA30] =	vst v47  }
0x93: {  	[tilespmem:$0xA40] =	vst v51  }
0x94: {  	[tilespmem:$0xA50] =	vst v55  }
0x95: {  	[tilespmem:$0xA60] =	vst v57;
	v59 =	vpop (erf)  }
0x96: {  	[tilespmem:$0xA70] =	vst v59  }
0x97: {  	[hbm4b:s6+s5] =	stream.linear.scatter [tilespmem:s24], [sflag:$0x3], $0x80, $0x38;
	[tilespmem:$0xC00] =	vst v63  }
0x98: {  	_ =	swait.ge [sflag:s25], $0x80  }
0x99: {  	[sflag:s25] =	ssyncset.done $0x0  }
0x9a: {  	[sflag:s25] =	ssyncadd.s32 $0xFFFFFF80  }
0x9b: {  	_ =	swait.ge [sflag:s25], $0x80  }
0x9c: {  	[sflag:s25] =	ssyncset.done $0x0  }
0x9d: {  	[sflag:s25] =	ssyncadd.s32 $0xFFFFFF80  }
0x9e: {  	_ =	swait.ge [sflag:s25], $0x80  }
0x9f: {  	[sflag:s25] =	ssyncset.done $0x0  }
0xa0: {  	[sflag:s25] =	ssyncadd.s32 $0xFFFFFF80  }
0xa1: {  	v60 =	vld [tilespmem:$0x480]  }
0xa2: {  	v61 =	vld [tilespmem:$0x880];
	_ =	sdelay $0x1  }
0xa3: {  	v62 =	vld [tilespmem:$0x680];
	_ =	sdelay $0x2  }
0xa4: {  	v0 =	vsub.f32 v60, v61;
	_ =	sdelay $0x1  }
0xa5: {  	v0 =	vmul.f32 v0, v62;
	_ =	sdelay $0x1  }
0xa6: {  	v0 =	vsub.f32 $0.0e+00, v0;
	_ =	sdelay $0x1  }
0xa7: {  	v0 =	vmul.f32 $1.442695020e+00, v0  }
0xa8: {  	v63 =	vld [tilespmem:$0x490]  }
0xa9: {  	v4 =	vld [tilespmem:$0x890];
	(erf) = vpow2.f32 v0;
	_ =	sdelay $0x1  }
0xaa: {  	v5 =	vld [tilespmem:$0x690];
	_ =	sdelay $0x2  }
0xab: {  	v0 =	vsub.f32 v63, v4;
	_ =	sdelay $0x1  }
0xac: {  	v0 =	vmul.f32 v0, v5;
	_ =	sdelay $0x1  }
0xad: {  	v0 =	vsub.f32 $0.0e+00, v0;
	v6 =	vpop (erf)  }
0xae: {  	v1 =	vadd.f32 $1.000000000e+00, v6  }
0xaf: {  	v0 =	vmul.f32 $1.442695020e+00, v0  }
0xb0: {  	v7 =	vld [tilespmem:$0x4A0];
	(erf) = vrcp.f32 v1  }
0xb1: {  	v8 =	vld [tilespmem:$0x8A0];
	(erf) = vpow2.f32 v0;
	_ =	sdelay $0x1  }
0xb2: {  	v9 =	vld [tilespmem:$0x6A0];
	_ =	sdelay $0x2  }
0xb3: {  	v0 =	vsub.f32 v7, v8;
	_ =	sdelay $0x1  }
0xb4: {  	v0 =	vmul.f32 v0, v9  }
0xb5: {  	v10 =	vpop (erf)  }
0xb6: {  	v0 =	vsub.f32 $0.0e+00, v0;
	v11 =	vpop (erf)  }
0xb7: {  	v2 =	vadd.f32 $1.000000000e+00, v11  }
0xb8: {  	v0 =	vmul.f32 $1.442695020e+00, v0  }
0xb9: {  	v12 =	vld [tilespmem:$0x4B0];
	(erf) = vrcp.f32 v2  }
0xba: {  	v13 =	vld [tilespmem:$0x8B0];
	(erf) = vpow2.f32 v0;
	_ =	sdelay $0x1  }
0xbb: {  	v14 =	vld [tilespmem:$0x6B0];
	_ =	sdelay $0x2  }
0xbc: {  	v0 =	vsub.f32 v12, v13;
	_ =	sdelay $0x1  }
0xbd: {  	v0 =	vmul.f32 v0, v14  }
0xbe: {  	v15 =	vpop (erf)  }
0xbf: {  	v0 =	vsub.f32 $0.0e+00, v0;
	v16 =	vpop (erf)  }
0xc0: {  	v3 =	vadd.f32 $1.000000000e+00, v16  }
0xc1: {  	v0 =	vmul.f32 $1.442695020e+00, v0  }
0xc2: {  	v17 =	vld [tilespmem:$0x4C0];
	(erf) = vrcp.f32 v3  }
0xc3: {  	v18 =	vld [tilespmem:$0x8C0];
	(erf) = vpow2.f32 v0;
	_ =	sdelay $0x1  }
0xc4: {  	v19 =	vld [tilespmem:$0x6C0];
	_ =	sdelay $0x2  }
0xc5: {  	v0 =	vsub.f32 v17, v18;
	_ =	sdelay $0x1  }
0xc6: {  	v0 =	vmul.f32 v0, v19  }
0xc7: {  	v20 =	vpop (erf)  }
0xc8: {  	v0 =	vsub.f32 $0.0e+00, v0;
	v21 =	vpop (erf)  }
0xc9: {  	v4 =	vadd.f32 $1.000000000e+00, v21  }
0xca: {  	v0 =	vmul.f32 $1.442695020e+00, v0  }
0xcb: {  	v22 =	vld [tilespmem:$0x4D0];
	(erf) = vrcp.f32 v4  }
0xcc: {  	v23 =	vld [tilespmem:$0x8D0];
	(erf) = vpow2.f32 v0;
	_ =	sdelay $0x1  }
0xcd: {  	v24 =	vld [tilespmem:$0x6D0];
	_ =	sdelay $0x2  }
0xce: {  	v0 =	vsub.f32 v22, v23;
	_ =	sdelay $0x1  }
0xcf: {  	v0 =	vmul.f32 v0, v24  }
0xd0: {  	v25 =	vpop (erf)  }
0xd1: {  	v0 =	vsub.f32 $0.0e+00, v0;
	v26 =	vpop (erf)  }
0xd2: {  	v5 =	vadd.f32 $1.000000000e+00, v26  }
0xd3: {  	v0 =	vmul.f32 $1.442695020e+00, v0  }
0xd4: {  	v27 =	vld [tilespmem:$0x4E0];
	(erf) = vrcp.f32 v5  }
0xd5: {  	v28 =	vld [tilespmem:$0x8E0];
	(erf) = vpow2.f32 v0;
	_ =	sdelay $0x1  }
0xd6: {  	v29 =	vld [tilespmem:$0x6E0];
	_ =	sdelay $0x2  }
0xd7: {  	v0 =	vsub.f32 v27, v28;
	_ =	sdelay $0x1  }
0xd8: {  	v0 =	vmul.f32 v0, v29  }
0xd9: {  	v30 =	vpop (erf)  }
0xda: {  	v0 =	vsub.f32 $0.0e+00, v0;
	v31 =	vpop (erf)  }
0xdb: {  	v6 =	vadd.f32 $1.000000000e+00, v31  }
0xdc: {  	v0 =	vmul.f32 $1.442695020e+00, v0  }
0xdd: {  	v32 =	vld [tilespmem:$0x4F0];
	(erf) = vrcp.f32 v6  }
0xde: {  	v33 =	vld [tilespmem:$0x8F0];
	(erf) = vpow2.f32 v0;
	_ =	sdelay $0x1  }
0xdf: {  	v34 =	vld [tilespmem:$0x6F0];
	_ =	sdelay $0x2  }
0xe0: {  	v0 =	vsub.f32 v32, v33;
	_ =	sdelay $0x1  }
0xe1: {  	v0 =	vmul.f32 v0, v34  }
0xe2: {  	v35 =	vpop (erf)  }
0xe3: {  	v0 =	vsub.f32 $0.0e+00, v0;
	v36 =	vpop (erf)  }
0xe4: {  	v7 =	vadd.f32 $1.000000000e+00, v36  }
0xe5: {  	v0 =	vmul.f32 $1.442695020e+00, v0  }
0xe6: {  	(erf) = vrcp.f32 v7  }
0xe7: {  	(erf) = vpow2.f32 v0;
	_ =	sdelay $0x7  }
0xe8: {  	v37 =	vpop (erf)  }
0xe9: {  	v38 =	vpop (erf)  }
0xea: {  	v7 =	vadd.f32 $1.000000000e+00, v38;
	_ =	sdelay $0x1  }
0xeb: {  	(erf) = vrcp.f32 v7;
	_ =	sdelay $0x2  }
0xec: {  	[tilespmem:$0xA80] =	vst v10  }
0xed: {  	[tilespmem:$0xA90] =	vst v15  }
0xee: {  	[tilespmem:$0xAA0] =	vst v20  }
0xef: {  	[tilespmem:$0xAB0] =	vst v25  }
0xf0: {  	[tilespmem:$0xAC0] =	vst v30  }
0xf1: {  	[tilespmem:$0xAD0] =	vst v35  }
0xf2: {  	[tilespmem:$0xAE0] =	vst v37;
	v39 =	vpop (erf)  }
0xf3: {  	s12 =	rddreg [dreg:$0x9];
	[tilespmem:$0xAF0] =	vst v39  }
0xf4: {  	[hbm4b:s12+s5] =	stream.linear.scatter [tilespmem:s26], [sflag:$0x3], $0x80, $0x38;
	[tilespmem:$0xC00] =	vst v63  }
0xf5: {  	_ =	swait.ge [sflag:s28], $0x80  }
0xf6: {  	[sflag:s28] =	ssyncset.done $0x0  }
0xf7: {  	[sflag:s28] =	ssyncadd.s32 $0xFFFFFF80  }
0xf8: {  	_ =	swait.ge [sflag:s28], $0x80  }
0xf9: {  	[sflag:s28] =	ssyncset.done $0x0  }
0xfa: {  	[sflag:s28] =	ssyncadd.s32 $0xFFFFFF80  }
0xfb: {  	_ =	swait.ge [sflag:s28], $0x80  }
0xfc: {  	[sflag:s28] =	ssyncset.done $0x0  }
0xfd: {  	[sflag:s28] =	ssyncadd.s32 $0xFFFFFF80  }
0xfe: {  	v40 =	vld [tilespmem:$0x500]  }
0xff: {  	v41 =	vld [tilespmem:$0x900];
	_ =	sdelay $0x1  }
0x100: {  	v42 =	vld [tilespmem:$0x700];
	_ =	sdelay $0x2  }
0x101: {  	v0 =	vsub.f32 v40, v41;
	_ =	sdelay $0x1  }
0x102: {  	v0 =	vmul.f32 v0, v42;
	_ =	sdelay $0x1  }
0x103: {  	v0 =	vsub.f32 $0.0e+00, v0;
	_ =	sdelay $0x1  }
0x104: {  	v0 =	vmul.f32 $1.442695020e+00, v0  }
0x105: {  	v43 =	vld [tilespmem:$0x510]  }
0x106: {  	v44 =	vld [tilespmem:$0x910];
	(erf) = vpow2.f32 v0;
	_ =	sdelay $0x1  }
0x107: {  	v45 =	vld [tilespmem:$0x710];
	_ =	sdelay $0x2  }
0x108: {  	v0 =	vsub.f32 v43, v44;
	_ =	sdelay $0x1  }
0x109: {  	v0 =	vmul.f32 v0, v45;
	_ =	sdelay $0x1  }
0x10a: {  	v0 =	vsub.f32 $0.0e+00, v0;
	v46 =	vpop (erf)  }
0x10b: {  	v1 =	vadd.f32 $1.000000000e+00, v46  }
0x10c: {  	v0 =	vmul.f32 $1.442695020e+00, v0  }
0x10d: {  	v47 =	vld [tilespmem:$0x520];
	(erf) = vrcp.f32 v1  }
0x10e: {  	v48 =	vld [tilespmem:$0x920];
	(erf) = vpow2.f32 v0;
	_ =	sdelay $0x1  }
0x10f: {  	v49 =	vld [tilespmem:$0x720];
	_ =	sdelay $0x2  }
0x110: {  	v0 =	vsub.f32 v47, v48;
	_ =	sdelay $0x1  }
0x111: {  	v0 =	vmul.f32 v0, v49  }
0x112: {  	v50 =	vpop (erf)  }
0x113: {  	v0 =	vsub.f32 $0.0e+00, v0;
	v51 =	vpop (erf)  }
0x114: {  	v2 =	vadd.f32 $1.000000000e+00, v51  }
0x115: {  	v0 =	vmul.f32 $1.442695020e+00, v0  }
0x116: {  	v52 =	vld [tilespmem:$0x530];
	(erf) = vrcp.f32 v2  }
0x117: {  	v53 =	vld [tilespmem:$0x930];
	(erf) = vpow2.f32 v0;
	_ =	sdelay $0x1  }
0x118: {  	v54 =	vld [tilespmem:$0x730];
	_ =	sdelay $0x2  }
0x119: {  	v0 =	vsub.f32 v52, v53;
	_ =	sdelay $0x1  }
0x11a: {  	v0 =	vmul.f32 v0, v54  }
0x11b: {  	v55 =	vpop (erf)  }
0x11c: {  	v0 =	vsub.f32 $0.0e+00, v0;
	v56 =	vpop (erf)  }
0x11d: {  	v3 =	vadd.f32 $1.000000000e+00, v56  }
0x11e: {  	v0 =	vmul.f32 $1.442695020e+00, v0  }
0x11f: {  	v57 =	vld [tilespmem:$0x540];
	(erf) = vrcp.f32 v3  }
0x120: {  	v58 =	vld [tilespmem:$0x940];
	(erf) = vpow2.f32 v0;
	_ =	sdelay $0x1  }
0x121: {  	v59 =	vld [tilespmem:$0x740];
	_ =	sdelay $0x2  }
0x122: {  	v0 =	vsub.f32 v57, v58;
	_ =	sdelay $0x1  }
0x123: {  	v0 =	vmul.f32 v0, v59  }
0x124: {  	v60 =	vpop (erf)  }
0x125: {  	v0 =	vsub.f32 $0.0e+00, v0;
	v61 =	vpop (erf)  }
0x126: {  	v4 =	vadd.f32 $1.000000000e+00, v61  }
0x127: {  	v0 =	vmul.f32 $1.442695020e+00, v0  }
0x128: {  	v62 =	vld [tilespmem:$0x550];
	(erf) = vrcp.f32 v4  }
0x129: {  	v63 =	vld [tilespmem:$0x950];
	(erf) = vpow2.f32 v0;
	_ =	sdelay $0x1  }
0x12a: {  	v8 =	vld [tilespmem:$0x750];
	_ =	sdelay $0x2  }
0x12b: {  	v0 =	vsub.f32 v62, v63;
	_ =	sdelay $0x1  }
0x12c: {  	v0 =	vmul.f32 v0, v8  }
0x12d: {  	v9 =	vpop (erf)  }
0x12e: {  	v0 =	vsub.f32 $0.0e+00, v0;
	v10 =	vpop (erf)  }
0x12f: {  	v5 =	vadd.f32 $1.000000000e+00, v10  }
0x130: {  	v0 =	vmul.f32 $1.442695020e+00, v0  }
0x131: {  	v11 =	vld [tilespmem:$0x560];
	(erf) = vrcp.f32 v5  }
0x132: {  	v12 =	vld [tilespmem:$0x960];
	(erf) = vpow2.f32 v0;
	_ =	sdelay $0x1  }
0x133: {  	v13 =	vld [tilespmem:$0x760];
	_ =	sdelay $0x2  }
0x134: {  	v0 =	vsub.f32 v11, v12;
	_ =	sdelay $0x1  }
0x135: {  	v0 =	vmul.f32 v0, v13  }
0x136: {  	v14 =	vpop (erf)  }
0x137: {  	v0 =	vsub.f32 $0.0e+00, v0;
	v15 =	vpop (erf)  }
0x138: {  	v6 =	vadd.f32 $1.000000000e+00, v15  }
0x139: {  	v0 =	vmul.f32 $1.442695020e+00, v0  }
0x13a: {  	v16 =	vld [tilespmem:$0x570];
	(erf) = vrcp.f32 v6  }
0x13b: {  	v17 =	vld [tilespmem:$0x970];
	(erf) = vpow2.f32 v0;
	_ =	sdelay $0x1  }
0x13c: {  	v18 =	vld [tilespmem:$0x770];
	_ =	sdelay $0x2  }
0x13d: {  	v0 =	vsub.f32 v16, v17;
	_ =	sdelay $0x1  }
0x13e: {  	v0 =	vmul.f32 v0, v18  }
0x13f: {  	v19 =	vpop (erf)  }
0x140: {  	v0 =	vsub.f32 $0.0e+00, v0;
	v20 =	vpop (erf)  }
0x141: {  	v7 =	vadd.f32 $1.000000000e+00, v20  }
0x142: {  	v0 =	vmul.f32 $1.442695020e+00, v0  }
0x143: {  	(erf) = vrcp.f32 v7  }
0x144: {  	(erf) = vpow2.f32 v0;
	_ =	sdelay $0x7  }
0x145: {  	v21 =	vpop (erf)  }
0x146: {  	v22 =	vpop (erf)  }
0x147: {  	v7 =	vadd.f32 $1.000000000e+00, v22;
	_ =	sdelay $0x1  }
0x148: {  	(erf) = vrcp.f32 v7;
	_ =	sdelay $0x2  }
0x149: {  	[tilespmem:$0xB00] =	vst v50  }
0x14a: {  	[tilespmem:$0xB10] =	vst v55  }
0x14b: {  	[tilespmem:$0xB20] =	vst v60  }
0x14c: {  	[tilespmem:$0xB30] =	vst v9  }
0x14d: {  	[tilespmem:$0xB40] =	vst v14  }
0x14e: {  	[tilespmem:$0xB50] =	vst v19  }
0x14f: {  	[tilespmem:$0xB60] =	vst v21;
	v23 =	vpop (erf)  }
0x150: {  	s13 =	rddreg [dreg:$0xa];
	[tilespmem:$0xB70] =	vst v23  }
0x151: {  	[hbm4b:s13+s5] =	stream.linear.scatter [tilespmem:s29], [sflag:$0x3], $0x80, $0x38;
	[tilespmem:$0xC00] =	vst v63  }
0x152: {  	_ =	swait.ge [sflag:s30], $0x80  }
0x153: {  	[sflag:s30] =	ssyncset.done $0x0  }
0x154: {  	[sflag:s30] =	ssyncadd.s32 $0xFFFFFF80  }
0x155: {  	_ =	swait.ge [sflag:s30], $0x80  }
0x156: {  	[sflag:s30] =	ssyncset.done $0x0  }
0x157: {  	[sflag:s30] =	ssyncadd.s32 $0xFFFFFF80  }
0x158: {  	_ =	swait.ge [sflag:s30], $0x80  }
0x159: {  	[sflag:s30] =	ssyncset.done $0x0  }
0x15a: {  	[sflag:s30] =	ssyncadd.s32 $0xFFFFFF80  }
0x15b: {  	v24 =	vld [tilespmem:$0x580]  }
0x15c: {  	v25 =	vld [tilespmem:$0x980];
	_ =	sdelay $0x1  }
0x15d: {  	v26 =	vld [tilespmem:$0x780];
	_ =	sdelay $0x2  }
0x15e: {  	v0 =	vsub.f32 v24, v25;
	_ =	sdelay $0x1  }
0x15f: {  	v0 =	vmul.f32 v0, v26;
	_ =	sdelay $0x1  }
0x160: {  	v0 =	vsub.f32 $0.0e+00, v0;
	_ =	sdelay $0x1  }
0x161: {  	v0 =	vmul.f32 $1.442695020e+00, v0  }
0x162: {  	v27 =	vld [tilespmem:$0x590]  }
0x163: {  	v28 =	vld [tilespmem:$0x990];
	(erf) = vpow2.f32 v0;
	_ =	sdelay $0x1  }
0x164: {  	v29 =	vld [tilespmem:$0x790];
	_ =	sdelay $0x2  }
0x165: {  	v0 =	vsub.f32 v27, v28;
	_ =	sdelay $0x1  }
0x166: {  	v0 =	vmul.f32 v0, v29;
	_ =	sdelay $0x1  }
0x167: {  	v0 =	vsub.f32 $0.0e+00, v0;
	v30 =	vpop (erf)  }
0x168: {  	v1 =	vadd.f32 $1.000000000e+00, v30  }
0x169: {  	v0 =	vmul.f32 $1.442695020e+00, v0  }
0x16a: {  	v31 =	vld [tilespmem:$0x5A0];
	(erf) = vrcp.f32 v1  }
0x16b: {  	v32 =	vld [tilespmem:$0x9A0];
	(erf) = vpow2.f32 v0;
	_ =	sdelay $0x1  }
0x16c: {  	v33 =	vld [tilespmem:$0x7A0];
	_ =	sdelay $0x2  }
0x16d: {  	v0 =	vsub.f32 v31, v32;
	_ =	sdelay $0x1  }
0x16e: {  	v0 =	vmul.f32 v0, v33  }
0x16f: {  	v34 =	vpop (erf)  }
0x170: {  	v0 =	vsub.f32 $0.0e+00, v0;
	v35 =	vpop (erf)  }
0x171: {  	v2 =	vadd.f32 $1.000000000e+00, v35  }
0x172: {  	v0 =	vmul.f32 $1.442695020e+00, v0  }
0x173: {  	v36 =	vld [tilespmem:$0x5B0];
	(erf) = vrcp.f32 v2  }
0x174: {  	v37 =	vld [tilespmem:$0x9B0];
	(erf) = vpow2.f32 v0;
	_ =	sdelay $0x1  }
0x175: {  	v38 =	vld [tilespmem:$0x7B0];
	_ =	sdelay $0x2  }
0x176: {  	v0 =	vsub.f32 v36, v37;
	_ =	sdelay $0x1  }
0x177: {  	v0 =	vmul.f32 v0, v38  }
0x178: {  	v39 =	vpop (erf)  }
0x179: {  	v0 =	vsub.f32 $0.0e+00, v0;
	v40 =	vpop (erf)  }
0x17a: {  	v3 =	vadd.f32 $1.000000000e+00, v40  }
0x17b: {  	v0 =	vmul.f32 $1.442695020e+00, v0  }
0x17c: {  	v41 =	vld [tilespmem:$0x5C0];
	(erf) = vrcp.f32 v3  }
0x17d: {  	v42 =	vld [tilespmem:$0x9C0];
	(erf) = vpow2.f32 v0;
	_ =	sdelay $0x1  }
0x17e: {  	v43 =	vld [tilespmem:$0x7C0];
	_ =	sdelay $0x2  }
0x17f: {  	v0 =	vsub.f32 v41, v42;
	_ =	sdelay $0x1  }
0x180: {  	v0 =	vmul.f32 v0, v43  }
0x181: {  	v44 =	vpop (erf)  }
0x182: {  	v0 =	vsub.f32 $0.0e+00, v0;
	v45 =	vpop (erf)  }
0x183: {  	v4 =	vadd.f32 $1.000000000e+00, v45  }
0x184: {  	v0 =	vmul.f32 $1.442695020e+00, v0  }
0x185: {  	v46 =	vld [tilespmem:$0x5D0];
	(erf) = vrcp.f32 v4  }
0x186: {  	v47 =	vld [tilespmem:$0x9D0];
	(erf) = vpow2.f32 v0;
	_ =	sdelay $0x1  }
0x187: {  	v48 =	vld [tilespmem:$0x7D0];
	_ =	sdelay $0x2  }
0x188: {  	v0 =	vsub.f32 v46, v47;
	_ =	sdelay $0x1  }
0x189: {  	v0 =	vmul.f32 v0, v48  }
0x18a: {  	v49 =	vpop (erf)  }
0x18b: {  	v0 =	vsub.f32 $0.0e+00, v0;
	v50 =	vpop (erf)  }
0x18c: {  	v5 =	vadd.f32 $1.000000000e+00, v50  }
0x18d: {  	v0 =	vmul.f32 $1.442695020e+00, v0  }
0x18e: {  	v51 =	vld [tilespmem:$0x5E0];
	(erf) = vrcp.f32 v5  }
0x18f: {  	v52 =	vld [tilespmem:$0x9E0];
	(erf) = vpow2.f32 v0;
	_ =	sdelay $0x1  }
0x190: {  	v53 =	vld [tilespmem:$0x7E0];
	_ =	sdelay $0x2  }
0x191: {  	v0 =	vsub.f32 v51, v52;
	_ =	sdelay $0x1  }
0x192: {  	v0 =	vmul.f32 v0, v53  }
0x193: {  	v54 =	vpop (erf)  }
0x194: {  	v0 =	vsub.f32 $0.0e+00, v0;
	v55 =	vpop (erf)  }
0x195: {  	v6 =	vadd.f32 $1.000000000e+00, v55  }
0x196: {  	v0 =	vmul.f32 $1.442695020e+00, v0  }
0x197: {  	v56 =	vld [tilespmem:$0x5F0];
	(erf) = vrcp.f32 v6  }
0x198: {  	v57 =	vld [tilespmem:$0x9F0];
	(erf) = vpow2.f32 v0;
	_ =	sdelay $0x1  }
0x199: {  	v58 =	vld [tilespmem:$0x7F0];
	_ =	sdelay $0x2  }
0x19a: {  	v0 =	vsub.f32 v56, v57;
	_ =	sdelay $0x1  }
0x19b: {  	v0 =	vmul.f32 v0, v58  }
0x19c: {  	v59 =	vpop (erf)  }
0x19d: {  	v0 =	vsub.f32 $0.0e+00, v0;
	v60 =	vpop (erf)  }
0x19e: {  	v7 =	vadd.f32 $1.000000000e+00, v60  }
0x19f: {  	v0 =	vmul.f32 $1.442695020e+00, v0  }
0x1a0: {  	(erf) = vrcp.f32 v7  }
0x1a1: {  	(erf) = vpow2.f32 v0;
	_ =	sdelay $0x7  }
0x1a2: {  	v61 =	vpop (erf)  }
0x1a3: {  	v62 =	vpop (erf)  }
0x1a4: {  	v7 =	vadd.f32 $1.000000000e+00, v62;
	_ =	sdelay $0x1  }
0x1a5: {  	(erf) = vrcp.f32 v7;
	_ =	sdelay $0x2  }
0x1a6: {  	[tilespmem:$0xB80] =	vst v34  }
0x1a7: {  	[tilespmem:$0xB90] =	vst v39  }
0x1a8: {  	[tilespmem:$0xBA0] =	vst v44  }
0x1a9: {  	[tilespmem:$0xBB0] =	vst v49  }
0x1aa: {  	[tilespmem:$0xBC0] =	vst v54  }
0x1ab: {  	[tilespmem:$0xBD0] =	vst v59  }
0x1ac: {  	[tilespmem:$0xBE0] =	vst v61;
	v63 =	vpop (erf)  }
0x1ad: {  	s15 =	rddreg [dreg:$0xb];
	[tilespmem:$0xBF0] =	vst v63  }
0x1ae: {  	[hbm4b:s15+s5] =	stream.linear.scatter [tilespmem:s31], [sflag:$0x3], $0x80, $0x38;
	[tilespmem:$0xC00] =	vst v63  }
0x1af: {  	_ =	swait.ge [sflag:s0], $0x80  }
0x1b0: {  	[sflag:s0] =	ssyncset.done $0x0  }
0x1b1: {  	[sflag:s0] =	ssyncadd.s32 $0xFFFFFF80  }
0x1b2: {  	_ =	swait.ge [sflag:s0], $0x80  }
0x1b3: {  	[sflag:s0] =	ssyncset.done $0x0  }
0x1b4: {  	[sflag:s0] =	ssyncadd.s32 $0xFFFFFF80  }
0x1b5: {  	p0 =	sne.s32 s7, $0x1;
	_ =	swait.ge [sflag:s0], $0x80  }
.Ltmp0:
0x1b6: {  	[sflag:s0] =	ssyncset.done $0x0;
	(pc) =	sbr.rel @p0 .LBB2_1-.Ltmp0, $4  }
0x1b7: {  	[sflag:s0] =	ssyncadd.s32 $0xFFFFFF80  }
0x1b8: {  	_ =	swait.ge [sflag:s0], $0x80  }
0x1b9: {  	[sflag:s0] =	ssyncset.done $0x0  }
0x1ba: {  	s7 =	sadd.s32 $0xFFFFFFFF, s7;
	[sflag:s0] =	ssyncadd.s32 $0xFFFFFF80  }
0x1bb: {  	_ =	sfence.sel $0x180000  }
0x1bc: {  	[bflag:$0x0] =	sbarrier.arrive $0xFFFF  }
0x1bd: {  	_ =	strace $0x90000047  }
0x1be: {  	s0 =	stileid.u32;
	[bflag:$0x2] =	sbarrier.arrive $0xFFFF  }
0x1bf: {  	p0 =	sne.s32 s0, $0x0;
	s0 =	rddreg [dreg:$0x6]  }
0x1c0: {  	s0 =	sadd.s32 @!p0 $0x100000, s0  }
0x1c1: {  	[sflag:s0] =	ssyncadd.tile.s32 @!p0 $0x1;
	_ =	shalt  }
.Lfunc_end2:
_tile_overlayer_lowered:
.L_overlay_start_2:
0x1c2: {  	(tag) =	ssettag $0x2  }
0x1c3: {  	s0 =	rddreg [dreg:$0x0];
	s2 =	stileid.u32  }
0x1c4: {  	s1 =	rddreg [dreg:$0x1];
	p0 =	sne.s32 s2, $0x0  }
0x1c5: {  	s3 =	rddreg [dreg:$0x2];
	[bflag:$0x3] =	sbarrier.arrive $0xFFFF;
	s2 =	simm.s32 @!p0 $0x1C08  }
0x1c6: {  	[timem:s3], [sflag:s2] =	dma.local @!p0 [hbm:s0], s1  }
0x1c7: {  	s0 =	simm.s32 @!p0 $0x8  }
0x1c8: {  	_ =	swait.ge @!p0 [sflag:s0], s1  }
0x1c9: {  	s1 =	ssub.s32 @!p0 $0x0, s1;
	[sflag:s0] =	ssyncset.done @!p0 $0x0  }
0x1ca: {  	[sflag:s0] =	ssyncadd.s32 @!p0 s1  }
0x1cb: {  	[bflag:$0x3] =	sbarrier.arrive $0xFFFF  }
0x1cc: {  	_ =	shalt  }

</sc_bundles>
